<compile_context>
chip_gen: v7x
topology: tpu7x:2x2x1
jax: 0.10.2.dev20260603
libtpu: 0.0.44.dev20260713+nightly
codegen_flags: <defaults>
</compile_context>

<pallas_src>
import jax
import jax.numpy as jnp
from jax import lax
from jax.experimental import pallas as pl
from jax.experimental.pallas import tpu as pltpu
from jax.experimental.pallas import tpu_sc as plsc

N = 4194304
NC = 2
NS = 16
NW = NC * NS
PER_W = N // NW
C = 8192
NCHUNK = PER_W // C
NPAIR = NCHUNK // 2
ROWS = C // 512

_GDN = lax.GatherDimensionNumbers(
    offset_dims=(), collapsed_slice_dims=(0,), start_index_map=(0,))


def _take16(vec, idx):
    return lax.gather(vec, idx.reshape(16, 1), _GDN, slice_sizes=(1,),
                      mode=lax.GatherScatterMode.PROMISE_IN_BOUNDS)


def _bcast(vec, lane):
    return _take16(vec, jnp.full((16,), lane, jnp.int32))


def _body(sup_h, cap_h, tgt_h, rnd_h, tbl_h,
          capo_h, supo_h,
          sup_v, cap_v, r0_v, r1_v, tgt_v, capo_v, supo_v,
          tbl_v, in_sem, out_sem):
    wid = lax.axis_index("s") * NC + lax.axis_index("c")
    base_w = wid * PER_W
    tgt_w = tgt_h.bitcast(jnp.int32)

    def start_in(ci, b):
        base = pl.multiple_of(base_w + ci * C, 4096)
        pltpu.async_copy(sup_h.at[pl.ds(base, C)], sup_v[b], in_sem[b])
        pltpu.async_copy(cap_h.at[pl.ds(base, C)], cap_v[b], in_sem[b])
        pltpu.async_copy(rnd_h.at[0, pl.ds(base, C)], r0_v[b], in_sem[b])
        pltpu.async_copy(rnd_h.at[1, pl.ds(base, C)], r1_v[b], in_sem[b])
        rbase = pl.multiple_of(base // 512, ROWS)
        pltpu.async_copy(tgt_w.at[pl.ds(rbase, ROWS), :], tgt_v[b], in_sem[b])

    def wait_in(b):
        pltpu.make_async_copy(sup_h.at[pl.ds(0, C)], sup_v[b], in_sem[b]).wait()
        pltpu.make_async_copy(cap_h.at[pl.ds(0, C)], cap_v[b], in_sem[b]).wait()
        pltpu.make_async_copy(rnd_h.at[0, pl.ds(0, C)], r0_v[b], in_sem[b]).wait()
        pltpu.make_async_copy(rnd_h.at[1, pl.ds(0, C)], r1_v[b], in_sem[b]).wait()
        pltpu.make_async_copy(tgt_w.at[pl.ds(0, ROWS), :], tgt_v[b],
                              in_sem[b]).wait()

    def start_out(ci, b):
        base = pl.multiple_of(base_w + ci * C, 4096)
        pltpu.async_copy(capo_v[b], capo_h.at[pl.ds(base, C)], out_sem[b])
        pltpu.async_copy(supo_v[b], supo_h.at[pl.ds(base, C)], out_sem[b])

    def wait_out(b):
        pltpu.make_async_copy(capo_v[b], capo_h.at[pl.ds(0, C)], out_sem[b]).wait()
        pltpu.make_async_copy(supo_v[b], supo_h.at[pl.ds(0, C)], out_sem[b]).wait()

    def compute(b):
        def row(g, c2):
            i = lax.shift_right_logical(g, 3)
            j0 = (g & 7) * 16
            w = tgt_v[b][i, pl.ds(j0, 16)]
            for p in range(4):
                off = i * 512 + p * 128 + j0
                sl = pl.ds(off, 16)
                t = (lax.shift_right_logical(w, 8 * p) & 1) != 0
                r0 = r0_v[b][sl]
                r1 = r1_v[b][sl]
                sup = sup_v[b][sl]
                cap = cap_v[b][sl]
                nm = jnp.where(b1 < r0,
                               jnp.where(b2 < r0, v3, v2),
                               jnp.where(b0 < r0, v1, v0))
                sw = t & (r1 < 0.5)
                capo_v[b][sl] = jnp.where(sw, nm, cap)
                supo_v[b][sl] = jnp.where(sw, nm + (sup - cap), sup)
            return c2
        lax.fori_loop(0, ROWS * 8, row, 0)

    start_in(0, 0)
    start_in(1, 1)

    pltpu.sync_copy(tbl_h, tbl_v)
    tbl = tbl_v[...]
    v0, v1, v2, v3 = (_bcast(tbl, j) for j in range(4))
    b0, b1, b2 = (_bcast(tbl, 4 + j) for j in range(3))

    def pair_body(i, carry):
        ci_a = 2 * i
        ci_b = 2 * i + 1
        wait_in(0)

        @pl.when(i > 0)
        def _():
            wait_out(0)
        compute(0)
        start_out(ci_a, 0)

        @pl.when(i + 1 < NPAIR)
        def _():
            start_in(ci_a + 2, 0)
        wait_in(1)

        @pl.when(i > 0)
        def _():
            wait_out(1)
        compute(1)
        start_out(ci_b, 1)

        @pl.when(i + 1 < NPAIR)
        def _():
            start_in(ci_b + 2, 1)
        return carry

    lax.fori_loop(0, NPAIR, pair_body, 0)
    wait_out(0)
    wait_out(1)


@jax.jit
def kernel(suppressants, capacity, targets, randomness_source,
           possible_capacities, cum_probs):
    tgt_u8 = targets.astype(jnp.uint8).reshape(N // 128, 128)
    tbl = jnp.concatenate([
        possible_capacities.astype(jnp.float32),
        cum_probs.astype(jnp.float32),
        jnp.zeros((8,), jnp.float32),
    ])
    f32 = jnp.float32
    vbuf = lambda dt: (pltpu.VMEM((C,), dt), pltpu.VMEM((C,), dt))
    run = pl.kernel(
        _body,
        out_type=(jax.ShapeDtypeStruct((N,), f32),
                  jax.ShapeDtypeStruct((N,), f32)),
        mesh=plsc.VectorSubcoreMesh(core_axis_name="c", subcore_axis_name="s"),
        scratch_types=[
            vbuf(f32),
            vbuf(f32),
            vbuf(f32),
            vbuf(f32),
            (pltpu.VMEM((ROWS, 128), jnp.int32),
             pltpu.VMEM((ROWS, 128), jnp.int32)),
            vbuf(f32),
            vbuf(f32),
            pltpu.VMEM((16,), f32),
            (pltpu.SemaphoreType.DMA, pltpu.SemaphoreType.DMA),
            (pltpu.SemaphoreType.DMA, pltpu.SemaphoreType.DMA),
        ],
    )
    capacity_new, suppressants_new = run(
        suppressants, capacity, tgt_u8, randomness_source, tbl)
    return capacity_new, suppressants_new

# --- scband reference (transcript-rebuilt; emitter-appended) ---
"""Pipeline reference for scband-capacity-transition-90778428768811 (READ-ONLY COPY).

The authoritative reference and input builder live on the scoring server;
editing this copy changes nothing except your own understanding.
"""

import jax, jax.numpy as jnp
import numpy as np

N = 4194304
TANK_SWITCH_PROBABILITY = 0.5
STOCHASTIC_SWITCH = True


def setup_inputs(seed: int = 0) -> dict:
    key = jax.random.key(seed)
    k1, k2, k3, k4 = jax.random.split(key, 4)
    suppressants = jax.random.uniform(k1, (N,), dtype=jnp.float32) * 4.0
    capacity = jax.random.uniform(k2, (N,), dtype=jnp.float32) * 4.0
    randomness_source = jax.random.uniform(k3, (2, N), dtype=jnp.float32)
    targets = jax.random.randint(k4, (N,), 0, 2).astype(jnp.bool_)
    possible_capacities = jnp.array([1.0, 2.0, 3.0, 4.0], dtype=jnp.float32)
    cum_probs = jnp.cumsum(jnp.array([0.25, 0.25, 0.25, 0.25], dtype=jnp.float32), axis=0)
    return {
        "suppressants": suppressants,
        "capacity": capacity,
        "targets": targets,
        "randomness_source": randomness_source,
        "possible_capacities": possible_capacities,
        "cum_probs": cum_probs,
    }


def reference(suppressants, capacity, targets, randomness_source, possible_capacities, cum_probs):
    # tank_switches buffer starts False every call (_reset_buffers)
    # torch.bucketize(v, boundaries) (right=False) == jnp.searchsorted(boundaries, v, side='left')
    size_indices = jnp.searchsorted(cum_probs, randomness_source[0], side="left")
    size_indices = jnp.clip(size_indices, 0, possible_capacities.shape[0] - 1)
    new_maximums = possible_capacities[size_indices]
    if STOCHASTIC_SWITCH:
        switch_vals = randomness_source[1] < TANK_SWITCH_PROBABILITY
    else:
        switch_vals = jnp.ones_like(targets)
    # tank_switches[targets] = switch_vals[targets]; elsewhere stays False
    tank_switches = jnp.where(targets, switch_vals, False)
    bonuses = suppressants - capacity
    capacity_new = jnp.where(tank_switches, new_maximums, capacity)
    suppressants_new = jnp.where(tank_switches, new_maximums + bonuses, suppressants)
    return (capacity_new, suppressants_new)

if __name__ == "__main__":
    import jax
    _d = setup_inputs()
    print(jax.jit(kernel)(*tuple(_d.values())))

</pallas_src>

<mosaic_0001>
#map = affine_map<(d0, d1) -> (0)>
#map1 = affine_map<(d0, d1) -> (0, 0)>
module attributes {stable_mosaic.version = 14 : i64} {
  func.func @_body(%arg0: i32, %arg1: i32, %arg2: memref<4194304xf32, #tpu.memory_space<hbm>>, %arg3: memref<4194304xf32, #tpu.memory_space<hbm>>, %arg4: memref<32768x128xi8, #tpu.memory_space<hbm>>, %arg5: memref<2x4194304xf32, #tpu.memory_space<hbm>>, %arg6: memref<16xf32, #tpu.memory_space<hbm>>, %arg7: memref<4194304xf32, #tpu.memory_space<hbm>>, %arg8: memref<4194304xf32, #tpu.memory_space<hbm>>, %arg9: memref<8192xf32, #tpu.memory_space<vmem>>, %arg10: memref<8192xf32, #tpu.memory_space<vmem>>, %arg11: memref<8192xf32, #tpu.memory_space<vmem>>, %arg12: memref<8192xf32, #tpu.memory_space<vmem>>, %arg13: memref<8192xf32, #tpu.memory_space<vmem>>, %arg14: memref<8192xf32, #tpu.memory_space<vmem>>, %arg15: memref<8192xf32, #tpu.memory_space<vmem>>, %arg16: memref<8192xf32, #tpu.memory_space<vmem>>, %arg17: memref<16x128xi32, #tpu.memory_space<vmem>>, %arg18: memref<16x128xi32, #tpu.memory_space<vmem>>, %arg19: memref<8192xf32, #tpu.memory_space<vmem>>, %arg20: memref<8192xf32, #tpu.memory_space<vmem>>, %arg21: memref<8192xf32, #tpu.memory_space<vmem>>, %arg22: memref<8192xf32, #tpu.memory_space<vmem>>, %arg23: memref<16xf32, #tpu.memory_space<vmem>>, %arg24: memref<!tpu.dma_semaphore, #tpu.memory_space<semaphore_mem>>, %arg25: memref<!tpu.dma_semaphore, #tpu.memory_space<semaphore_mem>>, %arg26: memref<!tpu.dma_semaphore, #tpu.memory_space<semaphore_mem>>, %arg27: memref<!tpu.dma_semaphore, #tpu.memory_space<semaphore_mem>>) attributes {dimension_semantics = [#tpu.dimension_semantics<core_parallel>, #tpu.dimension_semantics<subcore_parallel>], iteration_bounds = array<i64: 2, 16>, scalar_prefetch = 0 : i64, scratch_operands = 19 : i64, tpu.core_type = #tpu.core_type<sc_vector_subcore>, window_params = [{transform_indices = #map}, {transform_indices = #map}, {transform_indices = #map1}, {transform_indices = #map1}, {transform_indices = #map}, {transform_indices = #map}, {transform_indices = #map}]} {
    %mul3A = arith.constant 2 : i32
    %mul3A_0 = arith.muli %arg1, %mul3A : i32
    %add3A = arith.addi %mul3A_0, %arg0 : i32
    %mul3A_1 = arith.constant 131072 : i32
    %mul3A_2 = arith.muli %add3A, %mul3A_1 : i32
    %add3A_3 = arith.constant 0 : i32
    %add3A_4 = arith.addi %mul3A_2, %add3A_3 : i32
    %multiple_of3A = tpu.assume_multiple %add3A_4, 4096 : i32
    %dma_start3A = tpu.memref_slice %arg2[%multiple_of3A] : memref<4194304xf32, #tpu.memory_space<hbm>> -> memref<8192xf32, #tpu.memory_space<hbm>>
    %dma_start3A_5 = tpu.memref_slice %arg2[%multiple_of3A] : memref<4194304xf32, #tpu.memory_space<hbm>> -> memref<8192xf32, #tpu.memory_space<hbm>>
    tpu.enqueue_dma source(%dma_start3A_5 : memref<8192xf32, #tpu.memory_space<hbm>>) target(%arg9 : memref<8192xf32, #tpu.memory_space<vmem>>) target_semaphore(%arg24 : memref<!tpu.dma_semaphore, #tpu.memory_space<semaphore_mem>>)
    %dma_start3A_6 = tpu.memref_slice %arg3[%multiple_of3A] : memref<4194304xf32, #tpu.memory_space<hbm>> -> memref<8192xf32, #tpu.memory_space<hbm>>
    %dma_start3A_7 = tpu.memref_slice %arg3[%multiple_of3A] : memref<4194304xf32, #tpu.memory_space<hbm>> -> memref<8192xf32, #tpu.memory_space<hbm>>
    tpu.enqueue_dma source(%dma_start3A_7 : memref<8192xf32, #tpu.memory_space<hbm>>) target(%arg11 : memref<8192xf32, #tpu.memory_space<vmem>>) target_semaphore(%arg24 : memref<!tpu.dma_semaphore, #tpu.memory_space<semaphore_mem>>)
    %dma_start3A_8 = arith.constant 0 : i32
    %dma_start3A_9 = tpu.memref_slice %arg5[%dma_start3A_8, %multiple_of3A] : memref<2x4194304xf32, #tpu.memory_space<hbm>> -> memref<1x8192xf32, #tpu.memory_space<hbm>>
    %dma_start3A_10 = tpu.memref_squeeze %dma_start3A_9 : memref<1x8192xf32, #tpu.memory_space<hbm>> -> memref<8192xf32, #tpu.memory_space<hbm>>
    %dma_start3A_11 = tpu.memref_slice %arg5[%dma_start3A_8, %multiple_of3A] : memref<2x4194304xf32, #tpu.memory_space<hbm>> -> memref<1x8192xf32, #tpu.memory_space<hbm>>
    %dma_start3A_12 = tpu.memref_squeeze %dma_start3A_11 : memref<1x8192xf32, #tpu.memory_space<hbm>> -> memref<8192xf32, #tpu.memory_space<hbm>>
    tpu.enqueue_dma source(%dma_start3A_12 : memref<8192xf32, #tpu.memory_space<hbm>>) target(%arg13 : memref<8192xf32, #tpu.memory_space<vmem>>) target_semaphore(%arg24 : memref<!tpu.dma_semaphore, #tpu.memory_space<semaphore_mem>>)
    %dma_start3A_13 = arith.constant 1 : i32
    %dma_start3A_14 = tpu.memref_slice %arg5[%dma_start3A_13, %multiple_of3A] : memref<2x4194304xf32, #tpu.memory_space<hbm>> -> memref<1x8192xf32, #tpu.memory_space<hbm>>
    %dma_start3A_15 = tpu.memref_squeeze %dma_start3A_14 : memref<1x8192xf32, #tpu.memory_space<hbm>> -> memref<8192xf32, #tpu.memory_space<hbm>>
    %dma_start3A_16 = tpu.memref_slice %arg5[%dma_start3A_13, %multiple_of3A] : memref<2x4194304xf32, #tpu.memory_space<hbm>> -> memref<1x8192xf32, #tpu.memory_space<hbm>>
    %dma_start3A_17 = tpu.memref_squeeze %dma_start3A_16 : memref<1x8192xf32, #tpu.memory_space<hbm>> -> memref<8192xf32, #tpu.memory_space<hbm>>
    tpu.enqueue_dma source(%dma_start3A_17 : memref<8192xf32, #tpu.memory_space<hbm>>) target(%arg15 : memref<8192xf32, #tpu.memory_space<vmem>>) target_semaphore(%arg24 : memref<!tpu.dma_semaphore, #tpu.memory_space<semaphore_mem>>)
    %jit3A = arith.constant 512 : i32
    %div3A = arith.divsi %multiple_of3A, %jit3A : i32
    %sign3A = arith.constant 0 : i32
    %sign3A_18 = arith.cmpi sgt, %multiple_of3A, %sign3A : i32
    %sign3A_19 = arith.extui %sign3A_18 : i1 to i32
    %sign3A_20 = arith.constant 0 : i32
    %sign3A_21 = arith.cmpi slt, %multiple_of3A, %sign3A_20 : i32
    %sign3A_22 = arith.extui %sign3A_21 : i1 to i32
    %sign3A_23 = arith.subi %sign3A_19, %sign3A_22 : i32
    %sign3A_24 = arith.constant 0 : i32
    %sign3A_25 = arith.cmpi sgt, %jit3A, %sign3A_24 : i32
    %sign3A_26 = arith.extui %sign3A_25 : i1 to i32
    %sign3A_27 = arith.constant 0 : i32
    %sign3A_28 = arith.cmpi slt, %jit3A, %sign3A_27 : i32
    %sign3A_29 = arith.extui %sign3A_28 : i1 to i32
    %sign3A_30 = arith.subi %sign3A_26, %sign3A_29 : i32
    %ne3A = arith.cmpi ne, %sign3A_23, %sign3A_30 : i32
    %rem3A = arith.remsi %multiple_of3A, %jit3A : i32
    %ne3A_31 = arith.constant 0 : i32
    %ne3A_32 = arith.cmpi ne, %rem3A, %ne3A_31 : i32
    %and3A = arith.andi %ne3A, %ne3A_32 : i1
    %sub3A = arith.constant 1 : i32
    %sub3A_33 = arith.subi %div3A, %sub3A : i32
    %select_n3A = arith.select %and3A, %sub3A_33, %div3A : i32
    %multiple_of3A_34 = tpu.assume_multiple %select_n3A, 16 : i32
    %dma_start3A_35 = tpu.memref_bitcast %arg4 : memref<32768x128xi8, #tpu.memory_space<hbm>> -> memref<8192x128xi32, #tpu.memory_space<hbm>>
    %dma_start3A_36 = arith.constant 0 : i32
    %dma_start3A_37 = tpu.memref_slice %dma_start3A_35[%multiple_of3A_34, %dma_start3A_36] : memref<8192x128xi32, #tpu.memory_space<hbm>> -> memref<16x128xi32, #tpu.memory_space<hbm>>
    %dma_start3A_38 = tpu.memref_bitcast %arg4 : memref<32768x128xi8, #tpu.memory_space<hbm>> -> memref<8192x128xi32, #tpu.memory_space<hbm>>
    %dma_start3A_39 = arith.constant 0 : i32
    %dma_start3A_40 = tpu.memref_slice %dma_start3A_38[%multiple_of3A_34, %dma_start3A_39] : memref<8192x128xi32, #tpu.memory_space<hbm>> -> memref<16x128xi32, #tpu.memory_space<hbm>>
    tpu.enqueue_dma source(%dma_start3A_40 : memref<16x128xi32, #tpu.memory_space<hbm>>) target(%arg17 : memref<16x128xi32, #tpu.memory_space<vmem>>) target_semaphore(%arg24 : memref<!tpu.dma_semaphore, #tpu.memory_space<semaphore_mem>>)
    %add3A_41 = arith.constant 8192 : i32
    %add3A_42 = arith.addi %mul3A_2, %add3A_41 : i32
    %multiple_of3A_43 = tpu.assume_multiple %add3A_42, 4096 : i32
    %dma_start3A_44 = tpu.memref_slice %arg2[%multiple_of3A_43] : memref<4194304xf32, #tpu.memory_space<hbm>> -> memref<8192xf32, #tpu.memory_space<hbm>>
    %dma_start3A_45 = tpu.memref_slice %arg2[%multiple_of3A_43] : memref<4194304xf32, #tpu.memory_space<hbm>> -> memref<8192xf32, #tpu.memory_space<hbm>>
    tpu.enqueue_dma source(%dma_start3A_45 : memref<8192xf32, #tpu.memory_space<hbm>>) target(%arg10 : memref<8192xf32, #tpu.memory_space<vmem>>) target_semaphore(%arg25 : memref<!tpu.dma_semaphore, #tpu.memory_space<semaphore_mem>>)
    %dma_start3A_46 = tpu.memref_slice %arg3[%multiple_of3A_43] : memref<4194304xf32, #tpu.memory_space<hbm>> -> memref<8192xf32, #tpu.memory_space<hbm>>
    %dma_start3A_47 = tpu.memref_slice %arg3[%multiple_of3A_43] : memref<4194304xf32, #tpu.memory_space<hbm>> -> memref<8192xf32, #tpu.memory_space<hbm>>
    tpu.enqueue_dma source(%dma_start3A_47 : memref<8192xf32, #tpu.memory_space<hbm>>) target(%arg12 : memref<8192xf32, #tpu.memory_space<vmem>>) target_semaphore(%arg25 : memref<!tpu.dma_semaphore, #tpu.memory_space<semaphore_mem>>)
    %dma_start3A_48 = arith.constant 0 : i32
    %dma_start3A_49 = tpu.memref_slice %arg5[%dma_start3A_48, %multiple_of3A_43] : memref<2x4194304xf32, #tpu.memory_space<hbm>> -> memref<1x8192xf32, #tpu.memory_space<hbm>>
    %dma_start3A_50 = tpu.memref_squeeze %dma_start3A_49 : memref<1x8192xf32, #tpu.memory_space<hbm>> -> memref<8192xf32, #tpu.memory_space<hbm>>
    %dma_start3A_51 = tpu.memref_slice %arg5[%dma_start3A_48, %multiple_of3A_43] : memref<2x4194304xf32, #tpu.memory_space<hbm>> -> memref<1x8192xf32, #tpu.memory_space<hbm>>
    %dma_start3A_52 = tpu.memref_squeeze %dma_start3A_51 : memref<1x8192xf32, #tpu.memory_space<hbm>> -> memref<8192xf32, #tpu.memory_space<hbm>>
    tpu.enqueue_dma source(%dma_start3A_52 : memref<8192xf32, #tpu.memory_space<hbm>>) target(%arg14 : memref<8192xf32, #tpu.memory_space<vmem>>) target_semaphore(%arg25 : memref<!tpu.dma_semaphore, #tpu.memory_space<semaphore_mem>>)
    %dma_start3A_53 = arith.constant 1 : i32
    %dma_start3A_54 = tpu.memref_slice %arg5[%dma_start3A_53, %multiple_of3A_43] : memref<2x4194304xf32, #tpu.memory_space<hbm>> -> memref<1x8192xf32, #tpu.memory_space<hbm>>
    %dma_start3A_55 = tpu.memref_squeeze %dma_start3A_54 : memref<1x8192xf32, #tpu.memory_space<hbm>> -> memref<8192xf32, #tpu.memory_space<hbm>>
    %dma_start3A_56 = tpu.memref_slice %arg5[%dma_start3A_53, %multiple_of3A_43] : memref<2x4194304xf32, #tpu.memory_space<hbm>> -> memref<1x8192xf32, #tpu.memory_space<hbm>>
    %dma_start3A_57 = tpu.memref_squeeze %dma_start3A_56 : memref<1x8192xf32, #tpu.memory_space<hbm>> -> memref<8192xf32, #tpu.memory_space<hbm>>
    tpu.enqueue_dma source(%dma_start3A_57 : memref<8192xf32, #tpu.memory_space<hbm>>) target(%arg16 : memref<8192xf32, #tpu.memory_space<vmem>>) target_semaphore(%arg25 : memref<!tpu.dma_semaphore, #tpu.memory_space<semaphore_mem>>)
    %jit3A_58 = arith.constant 512 : i32
    %div3A_59 = arith.divsi %multiple_of3A_43, %jit3A_58 : i32
    %sign3A_60 = arith.constant 0 : i32
    %sign3A_61 = arith.cmpi sgt, %multiple_of3A_43, %sign3A_60 : i32
    %sign3A_62 = arith.extui %sign3A_61 : i1 to i32
    %sign3A_63 = arith.constant 0 : i32
    %sign3A_64 = arith.cmpi slt, %multiple_of3A_43, %sign3A_63 : i32
    %sign3A_65 = arith.extui %sign3A_64 : i1 to i32
    %sign3A_66 = arith.subi %sign3A_62, %sign3A_65 : i32
    %sign3A_67 = arith.constant 0 : i32
    %sign3A_68 = arith.cmpi sgt, %jit3A_58, %sign3A_67 : i32
    %sign3A_69 = arith.extui %sign3A_68 : i1 to i32
    %sign3A_70 = arith.constant 0 : i32
    %sign3A_71 = arith.cmpi slt, %jit3A_58, %sign3A_70 : i32
    %sign3A_72 = arith.extui %sign3A_71 : i1 to i32
    %sign3A_73 = arith.subi %sign3A_69, %sign3A_72 : i32
    %ne3A_74 = arith.cmpi ne, %sign3A_66, %sign3A_73 : i32
    %rem3A_75 = arith.remsi %multiple_of3A_43, %jit3A_58 : i32
    %ne3A_76 = arith.constant 0 : i32
    %ne3A_77 = arith.cmpi ne, %rem3A_75, %ne3A_76 : i32
    %and3A_78 = arith.andi %ne3A_74, %ne3A_77 : i1
    %sub3A_79 = arith.constant 1 : i32
    %sub3A_80 = arith.subi %div3A_59, %sub3A_79 : i32
    %select_n3A_81 = arith.select %and3A_78, %sub3A_80, %div3A_59 : i32
    %multiple_of3A_82 = tpu.assume_multiple %select_n3A_81, 16 : i32
    %dma_start3A_83 = tpu.memref_bitcast %arg4 : memref<32768x128xi8, #tpu.memory_space<hbm>> -> memref<8192x128xi32, #tpu.memory_space<hbm>>
    %dma_start3A_84 = arith.constant 0 : i32
    %dma_start3A_85 = tpu.memref_slice %dma_start3A_83[%multiple_of3A_82, %dma_start3A_84] : memref<8192x128xi32, #tpu.memory_space<hbm>> -> memref<16x128xi32, #tpu.memory_space<hbm>>
    %dma_start3A_86 = tpu.memref_bitcast %arg4 : memref<32768x128xi8, #tpu.memory_space<hbm>> -> memref<8192x128xi32, #tpu.memory_space<hbm>>
    %dma_start3A_87 = arith.constant 0 : i32
    %dma_start3A_88 = tpu.memref_slice %dma_start3A_86[%multiple_of3A_82, %dma_start3A_87] : memref<8192x128xi32, #tpu.memory_space<hbm>> -> memref<16x128xi32, #tpu.memory_space<hbm>>
    tpu.enqueue_dma source(%dma_start3A_88 : memref<16x128xi32, #tpu.memory_space<hbm>>) target(%arg18 : memref<16x128xi32, #tpu.memory_space<vmem>>) target_semaphore(%arg25 : memref<!tpu.dma_semaphore, #tpu.memory_space<semaphore_mem>>)
    "tpu.region"() ({
      %run_scoped3A = tpu.sem_alloc : memref<!tpu.dma_semaphore, #tpu.memory_space<semaphore_mem>>
      tpu.enqueue_dma source(%arg6 : memref<16xf32, #tpu.memory_space<hbm>>) target(%arg23 : memref<16xf32, #tpu.memory_space<vmem>>) target_semaphore(%run_scoped3A : memref<!tpu.dma_semaphore, #tpu.memory_space<semaphore_mem>>)
      tpu.wait_dma2 semaphore(%run_scoped3A : memref<!tpu.dma_semaphore, #tpu.memory_space<semaphore_mem>>) src(%arg6 : memref<16xf32, #tpu.memory_space<hbm>>) dst(%arg23 : memref<16xf32, #tpu.memory_space<vmem>>)
      tpu.yield
    }) : () -> ()
    %get3A = arith.constant 0 : index
    %get3A_89 = tpu.vector_load %arg23[%get3A] {strides = array<i32>} : memref<16xf32, #tpu.memory_space<vmem>>, vector<16xf32>,
    %get3A_90 = vector.shape_cast %get3A_89 : vector<16xf32> to vector<16xf32>
    %broadcast_in_dim3A = arith.constant 0 : i32
    %broadcast_in_dim3A_91 = vector.broadcast %broadcast_in_dim3A : i32 to vector<16xi32>
    %reshape3A = vector.shape_cast %broadcast_in_dim3A_91 : vector<16xi32> to vector<16x1xi32>
    %gather3A = vector.shape_cast %reshape3A : vector<16x1xi32> to vector<16xi32>
    %gather3A_92 = tpu.dynamic_gather %get3A_90[%gather3A] in [0] : vector<16xf32>, vector<16xi32> -> vector<16xf32>
    %broadcast_in_dim3A_93 = arith.constant 1 : i32
    %broadcast_in_dim3A_94 = vector.broadcast %broadcast_in_dim3A_93 : i32 to vector<16xi32>
    %reshape3A_95 = vector.shape_cast %broadcast_in_dim3A_94 : vector<16xi32> to vector<16x1xi32>
    %gather3A_96 = vector.shape_cast %reshape3A_95 : vector<16x1xi32> to vector<16xi32>
    %gather3A_97 = tpu.dynamic_gather %get3A_90[%gather3A_96] in [0] : vector<16xf32>, vector<16xi32> -> vector<16xf32>
    %broadcast_in_dim3A_98 = arith.constant 2 : i32
    %broadcast_in_dim3A_99 = vector.broadcast %broadcast_in_dim3A_98 : i32 to vector<16xi32>
    %reshape3A_100 = vector.shape_cast %broadcast_in_dim3A_99 : vector<16xi32> to vector<16x1xi32>
    %gather3A_101 = vector.shape_cast %reshape3A_100 : vector<16x1xi32> to vector<16xi32>
    %gather3A_102 = tpu.dynamic_gather %get3A_90[%gather3A_101] in [0] : vector<16xf32>, vector<16xi32> -> vector<16xf32>
    %broadcast_in_dim3A_103 = arith.constant 3 : i32
    %broadcast_in_dim3A_104 = vector.broadcast %broadcast_in_dim3A_103 : i32 to vector<16xi32>
    %reshape3A_105 = vector.shape_cast %broadcast_in_dim3A_104 : vector<16xi32> to vector<16x1xi32>
    %gather3A_106 = vector.shape_cast %reshape3A_105 : vector<16x1xi32> to vector<16xi32>
    %gather3A_107 = tpu.dynamic_gather %get3A_90[%gather3A_106] in [0] : vector<16xf32>, vector<16xi32> -> vector<16xf32>
    %broadcast_in_dim3A_108 = arith.constant 4 : i32
    %broadcast_in_dim3A_109 = vector.broadcast %broadcast_in_dim3A_108 : i32 to vector<16xi32>
    %reshape3A_110 = vector.shape_cast %broadcast_in_dim3A_109 : vector<16xi32> to vector<16x1xi32>
    %gather3A_111 = vector.shape_cast %reshape3A_110 : vector<16x1xi32> to vector<16xi32>
    %gather3A_112 = tpu.dynamic_gather %get3A_90[%gather3A_111] in [0] : vector<16xf32>, vector<16xi32> -> vector<16xf32>
    %broadcast_in_dim3A_113 = arith.constant 5 : i32
    %broadcast_in_dim3A_114 = vector.broadcast %broadcast_in_dim3A_113 : i32 to vector<16xi32>
    %reshape3A_115 = vector.shape_cast %broadcast_in_dim3A_114 : vector<16xi32> to vector<16x1xi32>
    %gather3A_116 = vector.shape_cast %reshape3A_115 : vector<16x1xi32> to vector<16xi32>
    %gather3A_117 = tpu.dynamic_gather %get3A_90[%gather3A_116] in [0] : vector<16xf32>, vector<16xi32> -> vector<16xf32>
    %broadcast_in_dim3A_118 = arith.constant 6 : i32
    %broadcast_in_dim3A_119 = vector.broadcast %broadcast_in_dim3A_118 : i32 to vector<16xi32>
    %reshape3A_120 = vector.shape_cast %broadcast_in_dim3A_119 : vector<16xi32> to vector<16x1xi32>
    %gather3A_121 = vector.shape_cast %reshape3A_120 : vector<16x1xi32> to vector<16xi32>
    %gather3A_122 = tpu.dynamic_gather %get3A_90[%gather3A_121] in [0] : vector<16xf32>, vector<16xi32> -> vector<16xf32>
    %scan3A = arith.constant 0 : i32
    %scan3A_123 = arith.constant 0 : i32
    %scan3A_124 = arith.constant 8 : i32
    %scan3A_125 = arith.addi %scan3A_123, %scan3A_124 : i32
    %scan3A_126 = arith.constant 1 : i32
    scf.for %scan3A_143 = %scan3A_123 to %scan3A_125 step %scan3A_126  : i32 {
      %mul3A_144 = arith.constant 2 : i32
      %mul3A_145 = arith.muli %mul3A_144, %scan3A_143 : i32
      %mul3A_146 = arith.constant 2 : i32
      %mul3A_147 = arith.muli %mul3A_146, %scan3A_143 : i32
      %add3A_148 = arith.constant 1 : i32
      %add3A_149 = arith.addi %mul3A_147, %add3A_148 : i32
      %dma_wait3A_150 = arith.constant 0 : i32
      %dma_wait3A_151 = tpu.memref_slice %arg2[%dma_wait3A_150] : memref<4194304xf32, #tpu.memory_space<hbm>> -> memref<8192xf32, #tpu.memory_space<hbm>>
      %dma_wait3A_152 = arith.constant 0 : i32
      %dma_wait3A_153 = tpu.memref_slice %arg2[%dma_wait3A_152] : memref<4194304xf32, #tpu.memory_space<hbm>> -> memref<8192xf32, #tpu.memory_space<hbm>>
      tpu.wait_dma2 semaphore(%arg24 : memref<!tpu.dma_semaphore, #tpu.memory_space<semaphore_mem>>) src(%dma_wait3A_153 : memref<8192xf32, #tpu.memory_space<hbm>>) dst(%arg9 : memref<8192xf32, #tpu.memory_space<vmem>>)
      %dma_wait3A_154 = arith.constant 0 : i32
      %dma_wait3A_155 = tpu.memref_slice %arg3[%dma_wait3A_154] : memref<4194304xf32, #tpu.memory_space<hbm>> -> memref<8192xf32, #tpu.memory_space<hbm>>
      %dma_wait3A_156 = arith.constant 0 : i32
      %dma_wait3A_157 = tpu.memref_slice %arg3[%dma_wait3A_156] : memref<4194304xf32, #tpu.memory_space<hbm>> -> memref<8192xf32, #tpu.memory_space<hbm>>
      tpu.wait_dma2 semaphore(%arg24 : memref<!tpu.dma_semaphore, #tpu.memory_space<semaphore_mem>>) src(%dma_wait3A_157 : memref<8192xf32, #tpu.memory_space<hbm>>) dst(%arg11 : memref<8192xf32, #tpu.memory_space<vmem>>)
      %dma_wait3A_158 = arith.constant 0 : i32
      %dma_wait3A_159 = arith.constant 0 : i32
      %dma_wait3A_160 = tpu.memref_slice %arg5[%dma_wait3A_158, %dma_wait3A_159] : memref<2x4194304xf32, #tpu.memory_space<hbm>> -> memref<1x8192xf32, #tpu.memory_space<hbm>>
      %dma_wait3A_161 = tpu.memref_squeeze %dma_wait3A_160 : memref<1x8192xf32, #tpu.memory_space<hbm>> -> memref<8192xf32, #tpu.memory_space<hbm>>
      %dma_wait3A_162 = arith.constant 0 : i32
      %dma_wait3A_163 = tpu.memref_slice %arg5[%dma_wait3A_158, %dma_wait3A_162] : memref<2x4194304xf32, #tpu.memory_space<hbm>> -> memref<1x8192xf32, #tpu.memory_space<hbm>>
      %dma_wait3A_164 = tpu.memref_squeeze %dma_wait3A_163 : memref<1x8192xf32, #tpu.memory_space<hbm>> -> memref<8192xf32, #tpu.memory_space<hbm>>
      tpu.wait_dma2 semaphore(%arg24 : memref<!tpu.dma_semaphore, #tpu.memory_space<semaphore_mem>>) src(%dma_wait3A_164 : memref<8192xf32, #tpu.memory_space<hbm>>) dst(%arg13 : memref<8192xf32, #tpu.memory_space<vmem>>)
      %dma_wait3A_165 = arith.constant 1 : i32
      %dma_wait3A_166 = arith.constant 0 : i32
      %dma_wait3A_167 = tpu.memref_slice %arg5[%dma_wait3A_165, %dma_wait3A_166] : memref<2x4194304xf32, #tpu.memory_space<hbm>> -> memref<1x8192xf32, #tpu.memory_space<hbm>>
      %dma_wait3A_168 = tpu.memref_squeeze %dma_wait3A_167 : memref<1x8192xf32, #tpu.memory_space<hbm>> -> memref<8192xf32, #tpu.memory_space<hbm>>
      %dma_wait3A_169 = arith.constant 0 : i32
      %dma_wait3A_170 = tpu.memref_slice %arg5[%dma_wait3A_165, %dma_wait3A_169] : memref<2x4194304xf32, #tpu.memory_space<hbm>> -> memref<1x8192xf32, #tpu.memory_space<hbm>>
      %dma_wait3A_171 = tpu.memref_squeeze %dma_wait3A_170 : memref<1x8192xf32, #tpu.memory_space<hbm>> -> memref<8192xf32, #tpu.memory_space<hbm>>
      tpu.wait_dma2 semaphore(%arg24 : memref<!tpu.dma_semaphore, #tpu.memory_space<semaphore_mem>>) src(%dma_wait3A_171 : memref<8192xf32, #tpu.memory_space<hbm>>) dst(%arg15 : memref<8192xf32, #tpu.memory_space<vmem>>)
      %dma_wait3A_172 = tpu.memref_bitcast %arg4 : memref<32768x128xi8, #tpu.memory_space<hbm>> -> memref<8192x128xi32, #tpu.memory_space<hbm>>
      %dma_wait3A_173 = arith.constant 0 : i32
      %dma_wait3A_174 = arith.constant 0 : i32
      %dma_wait3A_175 = tpu.memref_slice %dma_wait3A_172[%dma_wait3A_173, %dma_wait3A_174] : memref<8192x128xi32, #tpu.memory_space<hbm>> -> memref<16x128xi32, #tpu.memory_space<hbm>>
      %dma_wait3A_176 = tpu.memref_bitcast %arg4 : memref<32768x128xi8, #tpu.memory_space<hbm>> -> memref<8192x128xi32, #tpu.memory_space<hbm>>
      %dma_wait3A_177 = arith.constant 0 : i32
      %dma_wait3A_178 = arith.constant 0 : i32
      %dma_wait3A_179 = tpu.memref_slice %dma_wait3A_176[%dma_wait3A_177, %dma_wait3A_178] : memref<8192x128xi32, #tpu.memory_space<hbm>> -> memref<16x128xi32, #tpu.memory_space<hbm>>
      tpu.wait_dma2 semaphore(%arg24 : memref<!tpu.dma_semaphore, #tpu.memory_space<semaphore_mem>>) src(%dma_wait3A_179 : memref<16x128xi32, #tpu.memory_space<hbm>>) dst(%arg17 : memref<16x128xi32, #tpu.memory_space<vmem>>)
      %gt3A = arith.constant 0 : i32
      %gt3A_180 = arith.cmpi sgt, %scan3A_143, %gt3A : i32
      %convert_element_type3A = arith.extui %gt3A_180 : i1 to i32
      %cond3A = arith.constant 0 : i32
      %cond3A_181 = arith.cmpi ne, %convert_element_type3A, %cond3A : i32
      scf.if %cond3A_181 {
        %dma_wait3A_258 = arith.constant 0 : i32
        %dma_wait3A_259 = tpu.memref_slice %arg7[%dma_wait3A_258] : memref<4194304xf32, #tpu.memory_space<hbm>> -> memref<8192xf32, #tpu.memory_space<hbm>>
        %dma_wait3A_260 = arith.constant 0 : i32
        %dma_wait3A_261 = tpu.memref_slice %arg7[%dma_wait3A_260] : memref<4194304xf32, #tpu.memory_space<hbm>> -> memref<8192xf32, #tpu.memory_space<hbm>>
        tpu.wait_dma2 semaphore(%arg26 : memref<!tpu.dma_semaphore, #tpu.memory_space<semaphore_mem>>) src(%arg19 : memref<8192xf32, #tpu.memory_space<vmem>>) dst(%dma_wait3A_261 : memref<8192xf32, #tpu.memory_space<hbm>>)
        %dma_wait3A_262 = arith.constant 0 : i32
        %dma_wait3A_263 = tpu.memref_slice %arg8[%dma_wait3A_262] : memref<4194304xf32, #tpu.memory_space<hbm>> -> memref<8192xf32, #tpu.memory_space<hbm>>
        %dma_wait3A_264 = arith.constant 0 : i32
        %dma_wait3A_265 = tpu.memref_slice %arg8[%dma_wait3A_264] : memref<4194304xf32, #tpu.memory_space<hbm>> -> memref<8192xf32, #tpu.memory_space<hbm>>
        tpu.wait_dma2 semaphore(%arg26 : memref<!tpu.dma_semaphore, #tpu.memory_space<semaphore_mem>>) src(%arg21 : memref<8192xf32, #tpu.memory_space<vmem>>) dst(%dma_wait3A_265 : memref<8192xf32, #tpu.memory_space<hbm>>)
      } else {
      }
      %scan3A_182 = arith.constant 0 : i32
      %scan3A_183 = arith.constant 0 : i32
      %scan3A_184 = arith.constant 128 : i32
      %scan3A_185 = arith.addi %scan3A_183, %scan3A_184 : i32
      %scan3A_186 = arith.constant 1 : i32
      scf.for %scan3A_258 = %scan3A_183 to %scan3A_185 step %scan3A_186  : i32 {
        %shift_right_logical3A = arith.constant 3 : i32
        %shift_right_logical3A_259 = arith.shrui %scan3A_258, %shift_right_logical3A : i32
        %and3A_260 = arith.constant 7 : i32
        %and3A_261 = arith.andi %scan3A_258, %and3A_260 : i32
        %mul3A_262 = arith.constant 16 : i32
        %mul3A_263 = arith.muli %and3A_261, %mul3A_262 : i32
        %get3A_264 = arith.index_cast %shift_right_logical3A_259 : i32 to index
        %get3A_265 = arith.index_cast %mul3A_263 : i32 to index
        %get3A_266 = tpu.vector_load %arg17[%get3A_264, %get3A_265] {strides = array<i32>} : memref<16x128xi32, #tpu.memory_space<vmem>>, vector<1x16xi32>,
        %get3A_267 = vector.shape_cast %get3A_266 : vector<1x16xi32> to vector<16xi32>
        %mul3A_268 = arith.constant 512 : i32
        %mul3A_269 = arith.muli %shift_right_logical3A_259, %mul3A_268 : i32
        %add3A_270 = arith.constant 0 : i32
        %add3A_271 = arith.addi %mul3A_269, %add3A_270 : i32
        %add3A_272 = arith.addi %add3A_271, %mul3A_263 : i32
        %shift_right_logical3A_273 = arith.constant 0 : i32
        %shift_right_logical3A_274 = vector.broadcast %shift_right_logical3A_273 : i32 to vector<16xi32>
        %shift_right_logical3A_275 = arith.shrui %get3A_267, %shift_right_logical3A_274 : vector<16xi32>
        %and3A_276 = arith.constant 1 : i32
        %and3A_277 = vector.broadcast %and3A_276 : i32 to vector<16xi32>
        %and3A_278 = arith.andi %shift_right_logical3A_275, %and3A_277 : vector<16xi32>
        %ne3A_279 = arith.constant 0 : i32
        %ne3A_280 = vector.broadcast %ne3A_279 : i32 to vector<16xi32>
        %ne3A_281 = arith.cmpi ne, %and3A_278, %ne3A_280 : vector<16xi32>
        %get3A_282 = arith.index_cast %add3A_272 : i32 to index
        %get3A_283 = tpu.vector_load %arg13[%get3A_282] {strides = array<i32>} : memref<8192xf32, #tpu.memory_space<vmem>>, vector<16xf32>,
        %get3A_284 = vector.shape_cast %get3A_283 : vector<16xf32> to vector<16xf32>
        %get3A_285 = arith.index_cast %add3A_272 : i32 to index
        %get3A_286 = tpu.vector_load %arg15[%get3A_285] {strides = array<i32>} : memref<8192xf32, #tpu.memory_space<vmem>>, vector<16xf32>,
        %get3A_287 = vector.shape_cast %get3A_286 : vector<16xf32> to vector<16xf32>
        %get3A_288 = arith.index_cast %add3A_272 : i32 to index
        %get3A_289 = tpu.vector_load %arg9[%get3A_288] {strides = array<i32>} : memref<8192xf32, #tpu.memory_space<vmem>>, vector<16xf32>,
        %get3A_290 = vector.shape_cast %get3A_289 : vector<16xf32> to vector<16xf32>
        %get3A_291 = arith.index_cast %add3A_272 : i32 to index
        %get3A_292 = tpu.vector_load %arg11[%get3A_291] {strides = array<i32>} : memref<8192xf32, #tpu.memory_space<vmem>>, vector<16xf32>,
        %get3A_293 = vector.shape_cast %get3A_292 : vector<16xf32> to vector<16xf32>
        %lt3A_294 = arith.cmpf olt, %gather3A_117, %get3A_284 : vector<16xf32>
        %lt3A_295 = arith.cmpf olt, %gather3A_122, %get3A_284 : vector<16xf32>
        %select_n3A_296 = arith.select %lt3A_295, %gather3A_107, %gather3A_102 : vector<16xi1>, vector<16xf32>
        %lt3A_297 = arith.cmpf olt, %gather3A_112, %get3A_284 : vector<16xf32>
        %select_n3A_298 = arith.select %lt3A_297, %gather3A_97, %gather3A_92 : vector<16xi1>, vector<16xf32>
        %select_n3A_299 = arith.select %lt3A_294, %select_n3A_296, %select_n3A_298 : vector<16xi1>, vector<16xf32>
        %lt3A_300 = arith.constant 5.000000e-01 : f32
        %lt3A_301 = vector.broadcast %lt3A_300 : f32 to vector<16xf32>
        %lt3A_302 = arith.cmpf olt, %get3A_287, %lt3A_301 : vector<16xf32>
        %and3A_303 = arith.andi %ne3A_281, %lt3A_302 : vector<16xi1>
        %select_n3A_304 = arith.select %and3A_303, %select_n3A_299, %get3A_293 : vector<16xi1>, vector<16xf32>
        %swap3A = arith.index_cast %add3A_272 : i32 to index
        %swap3A_305 = tpu.vector_load %arg19[%swap3A] {strides = array<i32>} : memref<8192xf32, #tpu.memory_space<vmem>>, vector<16xf32>,
        %swap3A_306 = vector.shape_cast %swap3A_305 : vector<16xf32> to vector<16xf32>
        %swap3A_307 = vector.shape_cast %select_n3A_304 : vector<16xf32> to vector<16xf32>
        tpu.vector_store %arg19[%swap3A], %swap3A_307 {strides = array<i32>} : memref<8192xf32, #tpu.memory_space<vmem>>, vector<16xf32>,
        %sub3A_308 = arith.subf %get3A_290, %get3A_293 : vector<16xf32>
        %add3A_309 = arith.addf %select_n3A_299, %sub3A_308 : vector<16xf32>
        %select_n3A_310 = arith.select %and3A_303, %add3A_309, %get3A_290 : vector<16xi1>, vector<16xf32>
        %swap3A_311 = arith.index_cast %add3A_272 : i32 to index
        %swap3A_312 = tpu.vector_load %arg21[%swap3A_311] {strides = array<i32>} : memref<8192xf32, #tpu.memory_space<vmem>>, vector<16xf32>,
        %swap3A_313 = vector.shape_cast %swap3A_312 : vector<16xf32> to vector<16xf32>
        %swap3A_314 = vector.shape_cast %select_n3A_310 : vector<16xf32> to vector<16xf32>
        tpu.vector_store %arg21[%swap3A_311], %swap3A_314 {strides = array<i32>} : memref<8192xf32, #tpu.memory_space<vmem>>, vector<16xf32>,
        %mul3A_315 = arith.constant 512 : i32
        %mul3A_316 = arith.muli %shift_right_logical3A_259, %mul3A_315 : i32
        %add3A_317 = arith.constant 128 : i32
        %add3A_318 = arith.addi %mul3A_316, %add3A_317 : i32
        %add3A_319 = arith.addi %add3A_318, %mul3A_263 : i32
        %shift_right_logical3A_320 = arith.constant 8 : i32
        %shift_right_logical3A_321 = vector.broadcast %shift_right_logical3A_320 : i32 to vector<16xi32>
        %shift_right_logical3A_322 = arith.shrui %get3A_267, %shift_right_logical3A_321 : vector<16xi32>
        %and3A_323 = arith.constant 1 : i32
        %and3A_324 = vector.broadcast %and3A_323 : i32 to vector<16xi32>
        %and3A_325 = arith.andi %shift_right_logical3A_322, %and3A_324 : vector<16xi32>
        %ne3A_326 = arith.constant 0 : i32
        %ne3A_327 = vector.broadcast %ne3A_326 : i32 to vector<16xi32>
        %ne3A_328 = arith.cmpi ne, %and3A_325, %ne3A_327 : vector<16xi32>
        %get3A_329 = arith.index_cast %add3A_319 : i32 to index
        %get3A_330 = tpu.vector_load %arg13[%get3A_329] {strides = array<i32>} : memref<8192xf32, #tpu.memory_space<vmem>>, vector<16xf32>,
        %get3A_331 = vector.shape_cast %get3A_330 : vector<16xf32> to vector<16xf32>
        %get3A_332 = arith.index_cast %add3A_319 : i32 to index
        %get3A_333 = tpu.vector_load %arg15[%get3A_332] {strides = array<i32>} : memref<8192xf32, #tpu.memory_space<vmem>>, vector<16xf32>,
        %get3A_334 = vector.shape_cast %get3A_333 : vector<16xf32> to vector<16xf32>
        %get3A_335 = arith.index_cast %add3A_319 : i32 to index
        %get3A_336 = tpu.vector_load %arg9[%get3A_335] {strides = array<i32>} : memref<8192xf32, #tpu.memory_space<vmem>>, vector<16xf32>,
        %get3A_337 = vector.shape_cast %get3A_336 : vector<16xf32> to vector<16xf32>
        %get3A_338 = arith.index_cast %add3A_319 : i32 to index
        %get3A_339 = tpu.vector_load %arg11[%get3A_338] {strides = array<i32>} : memref<8192xf32, #tpu.memory_space<vmem>>, vector<16xf32>,
        %get3A_340 = vector.shape_cast %get3A_339 : vector<16xf32> to vector<16xf32>
        %lt3A_341 = arith.cmpf olt, %gather3A_117, %get3A_331 : vector<16xf32>
        %lt3A_342 = arith.cmpf olt, %gather3A_122, %get3A_331 : vector<16xf32>
        %select_n3A_343 = arith.select %lt3A_342, %gather3A_107, %gather3A_102 : vector<16xi1>, vector<16xf32>
        %lt3A_344 = arith.cmpf olt, %gather3A_112, %get3A_331 : vector<16xf32>
        %select_n3A_345 = arith.select %lt3A_344, %gather3A_97, %gather3A_92 : vector<16xi1>, vector<16xf32>
        %select_n3A_346 = arith.select %lt3A_341, %select_n3A_343, %select_n3A_345 : vector<16xi1>, vector<16xf32>
        %lt3A_347 = arith.constant 5.000000e-01 : f32
        %lt3A_348 = vector.broadcast %lt3A_347 : f32 to vector<16xf32>
        %lt3A_349 = arith.cmpf olt, %get3A_334, %lt3A_348 : vector<16xf32>
        %and3A_350 = arith.andi %ne3A_328, %lt3A_349 : vector<16xi1>
        %select_n3A_351 = arith.select %and3A_350, %select_n3A_346, %get3A_340 : vector<16xi1>, vector<16xf32>
        %swap3A_352 = arith.index_cast %add3A_319 : i32 to index
        %swap3A_353 = tpu.vector_load %arg19[%swap3A_352] {strides = array<i32>} : memref<8192xf32, #tpu.memory_space<vmem>>, vector<16xf32>,
        %swap3A_354 = vector.shape_cast %swap3A_353 : vector<16xf32> to vector<16xf32>
        %swap3A_355 = vector.shape_cast %select_n3A_351 : vector<16xf32> to vector<16xf32>
        tpu.vector_store %arg19[%swap3A_352], %swap3A_355 {strides = array<i32>} : memref<8192xf32, #tpu.memory_space<vmem>>, vector<16xf32>,
        %sub3A_356 = arith.subf %get3A_337, %get3A_340 : vector<16xf32>
        %add3A_357 = arith.addf %select_n3A_346, %sub3A_356 : vector<16xf32>
        %select_n3A_358 = arith.select %and3A_350, %add3A_357, %get3A_337 : vector<16xi1>, vector<16xf32>
        %swap3A_359 = arith.index_cast %add3A_319 : i32 to index
        %swap3A_360 = tpu.vector_load %arg21[%swap3A_359] {strides = array<i32>} : memref<8192xf32, #tpu.memory_space<vmem>>, vector<16xf32>,
        %swap3A_361 = vector.shape_cast %swap3A_360 : vector<16xf32> to vector<16xf32>
        %swap3A_362 = vector.shape_cast %select_n3A_358 : vector<16xf32> to vector<16xf32>
        tpu.vector_store %arg21[%swap3A_359], %swap3A_362 {strides = array<i32>} : memref<8192xf32, #tpu.memory_space<vmem>>, vector<16xf32>,
        %mul3A_363 = arith.constant 512 : i32
        %mul3A_364 = arith.muli %shift_right_logical3A_259, %mul3A_363 : i32
        %add3A_365 = arith.constant 256 : i32
        %add3A_366 = arith.addi %mul3A_364, %add3A_365 : i32
        %add3A_367 = arith.addi %add3A_366, %mul3A_263 : i32
        %shift_right_logical3A_368 = arith.constant 16 : i32
        %shift_right_logical3A_369 = vector.broadcast %shift_right_logical3A_368 : i32 to vector<16xi32>
        %shift_right_logical3A_370 = arith.shrui %get3A_267, %shift_right_logical3A_369 : vector<16xi32>
        %and3A_371 = arith.constant 1 : i32
        %and3A_372 = vector.broadcast %and3A_371 : i32 to vector<16xi32>
        %and3A_373 = arith.andi %shift_right_logical3A_370, %and3A_372 : vector<16xi32>
        %ne3A_374 = arith.constant 0 : i32
        %ne3A_375 = vector.broadcast %ne3A_374 : i32 to vector<16xi32>
        %ne3A_376 = arith.cmpi ne, %and3A_373, %ne3A_375 : vector<16xi32>
        %get3A_377 = arith.index_cast %add3A_367 : i32 to index
        %get3A_378 = tpu.vector_load %arg13[%get3A_377] {strides = array<i32>} : memref<8192xf32, #tpu.memory_space<vmem>>, vector<16xf32>,
        %get3A_379 = vector.shape_cast %get3A_378 : vector<16xf32> to vector<16xf32>
        %get3A_380 = arith.index_cast %add3A_367 : i32 to index
        %get3A_381 = tpu.vector_load %arg15[%get3A_380] {strides = array<i32>} : memref<8192xf32, #tpu.memory_space<vmem>>, vector<16xf32>,
        %get3A_382 = vector.shape_cast %get3A_381 : vector<16xf32> to vector<16xf32>
        %get3A_383 = arith.index_cast %add3A_367 : i32 to index
        %get3A_384 = tpu.vector_load %arg9[%get3A_383] {strides = array<i32>} : memref<8192xf32, #tpu.memory_space<vmem>>, vector<16xf32>,
        %get3A_385 = vector.shape_cast %get3A_384 : vector<16xf32> to vector<16xf32>
        %get3A_386 = arith.index_cast %add3A_367 : i32 to index
        %get3A_387 = tpu.vector_load %arg11[%get3A_386] {strides = array<i32>} : memref<8192xf32, #tpu.memory_space<vmem>>, vector<16xf32>,
        %get3A_388 = vector.shape_cast %get3A_387 : vector<16xf32> to vector<16xf32>
        %lt3A_389 = arith.cmpf olt, %gather3A_117, %get3A_379 : vector<16xf32>
        %lt3A_390 = arith.cmpf olt, %gather3A_122, %get3A_379 : vector<16xf32>
        %select_n3A_391 = arith.select %lt3A_390, %gather3A_107, %gather3A_102 : vector<16xi1>, vector<16xf32>
        %lt3A_392 = arith.cmpf olt, %gather3A_112, %get3A_379 : vector<16xf32>
        %select_n3A_393 = arith.select %lt3A_392, %gather3A_97, %gather3A_92 : vector<16xi1>, vector<16xf32>
        %select_n3A_394 = arith.select %lt3A_389, %select_n3A_391, %select_n3A_393 : vector<16xi1>, vector<16xf32>
        %lt3A_395 = arith.constant 5.000000e-01 : f32
        %lt3A_396 = vector.broadcast %lt3A_395 : f32 to vector<16xf32>
        %lt3A_397 = arith.cmpf olt, %get3A_382, %lt3A_396 : vector<16xf32>
        %and3A_398 = arith.andi %ne3A_376, %lt3A_397 : vector<16xi1>
        %select_n3A_399 = arith.select %and3A_398, %select_n3A_394, %get3A_388 : vector<16xi1>, vector<16xf32>
        %swap3A_400 = arith.index_cast %add3A_367 : i32 to index
        %swap3A_401 = tpu.vector_load %arg19[%swap3A_400] {strides = array<i32>} : memref<8192xf32, #tpu.memory_space<vmem>>, vector<16xf32>,
        %swap3A_402 = vector.shape_cast %swap3A_401 : vector<16xf32> to vector<16xf32>
        %swap3A_403 = vector.shape_cast %select_n3A_399 : vector<16xf32> to vector<16xf32>
        tpu.vector_store %arg19[%swap3A_400], %swap3A_403 {strides = array<i32>} : memref<8192xf32, #tpu.memory_space<vmem>>, vector<16xf32>,
        %sub3A_404 = arith.subf %get3A_385, %get3A_388 : vector<16xf32>
        %add3A_405 = arith.addf %select_n3A_394, %sub3A_404 : vector<16xf32>
        %select_n3A_406 = arith.select %and3A_398, %add3A_405, %get3A_385 : vector<16xi1>, vector<16xf32>
        %swap3A_407 = arith.index_cast %add3A_367 : i32 to index
        %swap3A_408 = tpu.vector_load %arg21[%swap3A_407] {strides = array<i32>} : memref<8192xf32, #tpu.memory_space<vmem>>, vector<16xf32>,
        %swap3A_409 = vector.shape_cast %swap3A_408 : vector<16xf32> to vector<16xf32>
        %swap3A_410 = vector.shape_cast %select_n3A_406 : vector<16xf32> to vector<16xf32>
        tpu.vector_store %arg21[%swap3A_407], %swap3A_410 {strides = array<i32>} : memref<8192xf32, #tpu.memory_space<vmem>>, vector<16xf32>,
        %mul3A_411 = arith.constant 512 : i32
        %mul3A_412 = arith.muli %shift_right_logical3A_259, %mul3A_411 : i32
        %add3A_413 = arith.constant 384 : i32
        %add3A_414 = arith.addi %mul3A_412, %add3A_413 : i32
        %add3A_415 = arith.addi %add3A_414, %mul3A_263 : i32
        %shift_right_logical3A_416 = arith.constant 24 : i32
        %shift_right_logical3A_417 = vector.broadcast %shift_right_logical3A_416 : i32 to vector<16xi32>
        %shift_right_logical3A_418 = arith.shrui %get3A_267, %shift_right_logical3A_417 : vector<16xi32>
        %and3A_419 = arith.constant 1 : i32
        %and3A_420 = vector.broadcast %and3A_419 : i32 to vector<16xi32>
        %and3A_421 = arith.andi %shift_right_logical3A_418, %and3A_420 : vector<16xi32>
        %ne3A_422 = arith.constant 0 : i32
        %ne3A_423 = vector.broadcast %ne3A_422 : i32 to vector<16xi32>
        %ne3A_424 = arith.cmpi ne, %and3A_421, %ne3A_423 : vector<16xi32>
        %get3A_425 = arith.index_cast %add3A_415 : i32 to index
        %get3A_426 = tpu.vector_load %arg13[%get3A_425] {strides = array<i32>} : memref<8192xf32, #tpu.memory_space<vmem>>, vector<16xf32>,
        %get3A_427 = vector.shape_cast %get3A_426 : vector<16xf32> to vector<16xf32>
        %get3A_428 = arith.index_cast %add3A_415 : i32 to index
        %get3A_429 = tpu.vector_load %arg15[%get3A_428] {strides = array<i32>} : memref<8192xf32, #tpu.memory_space<vmem>>, vector<16xf32>,
        %get3A_430 = vector.shape_cast %get3A_429 : vector<16xf32> to vector<16xf32>
        %get3A_431 = arith.index_cast %add3A_415 : i32 to index
        %get3A_432 = tpu.vector_load %arg9[%get3A_431] {strides = array<i32>} : memref<8192xf32, #tpu.memory_space<vmem>>, vector<16xf32>,
        %get3A_433 = vector.shape_cast %get3A_432 : vector<16xf32> to vector<16xf32>
        %get3A_434 = arith.index_cast %add3A_415 : i32 to index
        %get3A_435 = tpu.vector_load %arg11[%get3A_434] {strides = array<i32>} : memref<8192xf32, #tpu.memory_space<vmem>>, vector<16xf32>,
        %get3A_436 = vector.shape_cast %get3A_435 : vector<16xf32> to vector<16xf32>
        %lt3A_437 = arith.cmpf olt, %gather3A_117, %get3A_427 : vector<16xf32>
        %lt3A_438 = arith.cmpf olt, %gather3A_122, %get3A_427 : vector<16xf32>
        %select_n3A_439 = arith.select %lt3A_438, %gather3A_107, %gather3A_102 : vector<16xi1>, vector<16xf32>
        %lt3A_440 = arith.cmpf olt, %gather3A_112, %get3A_427 : vector<16xf32>
        %select_n3A_441 = arith.select %lt3A_440, %gather3A_97, %gather3A_92 : vector<16xi1>, vector<16xf32>
        %select_n3A_442 = arith.select %lt3A_437, %select_n3A_439, %select_n3A_441 : vector<16xi1>, vector<16xf32>
        %lt3A_443 = arith.constant 5.000000e-01 : f32
        %lt3A_444 = vector.broadcast %lt3A_443 : f32 to vector<16xf32>
        %lt3A_445 = arith.cmpf olt, %get3A_430, %lt3A_444 : vector<16xf32>
        %and3A_446 = arith.andi %ne3A_424, %lt3A_445 : vector<16xi1>
        %select_n3A_447 = arith.select %and3A_446, %select_n3A_442, %get3A_436 : vector<16xi1>, vector<16xf32>
        %swap3A_448 = arith.index_cast %add3A_415 : i32 to index
        %swap3A_449 = tpu.vector_load %arg19[%swap3A_448] {strides = array<i32>} : memref<8192xf32, #tpu.memory_space<vmem>>, vector<16xf32>,
        %swap3A_450 = vector.shape_cast %swap3A_449 : vector<16xf32> to vector<16xf32>
        %swap3A_451 = vector.shape_cast %select_n3A_447 : vector<16xf32> to vector<16xf32>
        tpu.vector_store %arg19[%swap3A_448], %swap3A_451 {strides = array<i32>} : memref<8192xf32, #tpu.memory_space<vmem>>, vector<16xf32>,
        %sub3A_452 = arith.subf %get3A_433, %get3A_436 : vector<16xf32>
        %add3A_453 = arith.addf %select_n3A_442, %sub3A_452 : vector<16xf32>
        %select_n3A_454 = arith.select %and3A_446, %add3A_453, %get3A_433 : vector<16xi1>, vector<16xf32>
        %swap3A_455 = arith.index_cast %add3A_415 : i32 to index
        %swap3A_456 = tpu.vector_load %arg21[%swap3A_455] {strides = array<i32>} : memref<8192xf32, #tpu.memory_space<vmem>>, vector<16xf32>,
        %swap3A_457 = vector.shape_cast %swap3A_456 : vector<16xf32> to vector<16xf32>
        %swap3A_458 = vector.shape_cast %select_n3A_454 : vector<16xf32> to vector<16xf32>
        tpu.vector_store %arg21[%swap3A_455], %swap3A_458 {strides = array<i32>} : memref<8192xf32, #tpu.memory_space<vmem>>, vector<16xf32>,
      }
      %scan3A_187 = arith.constant 128 : i32
      %mul3A_188 = arith.constant 8192 : i32
      %mul3A_189 = arith.muli %mul3A_145, %mul3A_188 : i32
      %add3A_190 = arith.addi %mul3A_2, %mul3A_189 : i32
      %multiple_of3A_191 = tpu.assume_multiple %add3A_190, 4096 : i32
      %dma_start3A_192 = tpu.memref_slice %arg7[%multiple_of3A_191] : memref<4194304xf32, #tpu.memory_space<hbm>> -> memref<8192xf32, #tpu.memory_space<hbm>>
      %dma_start3A_193 = tpu.memref_slice %arg7[%multiple_of3A_191] : memref<4194304xf32, #tpu.memory_space<hbm>> -> memref<8192xf32, #tpu.memory_space<hbm>>
      tpu.enqueue_dma source(%arg19 : memref<8192xf32, #tpu.memory_space<vmem>>) target(%dma_start3A_193 : memref<8192xf32, #tpu.memory_space<hbm>>) target_semaphore(%arg26 : memref<!tpu.dma_semaphore, #tpu.memory_space<semaphore_mem>>)
      %dma_start3A_194 = tpu.memref_slice %arg8[%multiple_of3A_191] : memref<4194304xf32, #tpu.memory_space<hbm>> -> memref<8192xf32, #tpu.memory_space<hbm>>
      %dma_start3A_195 = tpu.memref_slice %arg8[%multiple_of3A_191] : memref<4194304xf32, #tpu.memory_space<hbm>> -> memref<8192xf32, #tpu.memory_space<hbm>>
      tpu.enqueue_dma source(%arg21 : memref<8192xf32, #tpu.memory_space<vmem>>) target(%dma_start3A_195 : memref<8192xf32, #tpu.memory_space<hbm>>) target_semaphore(%arg26 : memref<!tpu.dma_semaphore, #tpu.memory_space<semaphore_mem>>)
      %add3A_196 = arith.constant 1 : i32
      %add3A_197 = arith.addi %scan3A_143, %add3A_196 : i32
      %lt3A = arith.constant 8 : i32
      %lt3A_198 = arith.cmpi slt, %add3A_197, %lt3A : i32
      %convert_element_type3A_199 = arith.extui %lt3A_198 : i1 to i32
      %cond3A_200 = arith.constant 0 : i32
      %cond3A_201 = arith.cmpi ne, %convert_element_type3A_199, %cond3A_200 : i32
      scf.if %cond3A_201 {
        %add3A_258 = arith.constant 2 : i32
        %add3A_259 = arith.addi %mul3A_145, %add3A_258 : i32
        %mul3A_260 = arith.constant 8192 : i32
        %mul3A_261 = arith.muli %add3A_259, %mul3A_260 : i32
        %add3A_262 = arith.addi %mul3A_2, %mul3A_261 : i32
        %multiple_of3A_263 = tpu.assume_multiple %add3A_262, 4096 : i32
        %dma_start3A_264 = tpu.memref_slice %arg2[%multiple_of3A_263] : memref<4194304xf32, #tpu.memory_space<hbm>> -> memref<8192xf32, #tpu.memory_space<hbm>>
        %dma_start3A_265 = tpu.memref_slice %arg2[%multiple_of3A_263] : memref<4194304xf32, #tpu.memory_space<hbm>> -> memref<8192xf32, #tpu.memory_space<hbm>>
        tpu.enqueue_dma source(%dma_start3A_265 : memref<8192xf32, #tpu.memory_space<hbm>>) target(%arg9 : memref<8192xf32, #tpu.memory_space<vmem>>) target_semaphore(%arg24 : memref<!tpu.dma_semaphore, #tpu.memory_space<semaphore_mem>>)
        %dma_start3A_266 = tpu.memref_slice %arg3[%multiple_of3A_263] : memref<4194304xf32, #tpu.memory_space<hbm>> -> memref<8192xf32, #tpu.memory_space<hbm>>
        %dma_start3A_267 = tpu.memref_slice %arg3[%multiple_of3A_263] : memref<4194304xf32, #tpu.memory_space<hbm>> -> memref<8192xf32, #tpu.memory_space<hbm>>
        tpu.enqueue_dma source(%dma_start3A_267 : memref<8192xf32, #tpu.memory_space<hbm>>) target(%arg11 : memref<8192xf32, #tpu.memory_space<vmem>>) target_semaphore(%arg24 : memref<!tpu.dma_semaphore, #tpu.memory_space<semaphore_mem>>)
        %dma_start3A_268 = arith.constant 0 : i32
        %dma_start3A_269 = tpu.memref_slice %arg5[%dma_start3A_268, %multiple_of3A_263] : memref<2x4194304xf32, #tpu.memory_space<hbm>> -> memref<1x8192xf32, #tpu.memory_space<hbm>>
        %dma_start3A_270 = tpu.memref_squeeze %dma_start3A_269 : memref<1x8192xf32, #tpu.memory_space<hbm>> -> memref<8192xf32, #tpu.memory_space<hbm>>
        %dma_start3A_271 = tpu.memref_slice %arg5[%dma_start3A_268, %multiple_of3A_263] : memref<2x4194304xf32, #tpu.memory_space<hbm>> -> memref<1x8192xf32, #tpu.memory_space<hbm>>
        %dma_start3A_272 = tpu.memref_squeeze %dma_start3A_271 : memref<1x8192xf32, #tpu.memory_space<hbm>> -> memref<8192xf32, #tpu.memory_space<hbm>>
        tpu.enqueue_dma source(%dma_start3A_272 : memref<8192xf32, #tpu.memory_space<hbm>>) target(%arg13 : memref<8192xf32, #tpu.memory_space<vmem>>) target_semaphore(%arg24 : memref<!tpu.dma_semaphore, #tpu.memory_space<semaphore_mem>>)
        %dma_start3A_273 = arith.constant 1 : i32
        %dma_start3A_274 = tpu.memref_slice %arg5[%dma_start3A_273, %multiple_of3A_263] : memref<2x4194304xf32, #tpu.memory_space<hbm>> -> memref<1x8192xf32, #tpu.memory_space<hbm>>
        %dma_start3A_275 = tpu.memref_squeeze %dma_start3A_274 : memref<1x8192xf32, #tpu.memory_space<hbm>> -> memref<8192xf32, #tpu.memory_space<hbm>>
        %dma_start3A_276 = tpu.memref_slice %arg5[%dma_start3A_273, %multiple_of3A_263] : memref<2x4194304xf32, #tpu.memory_space<hbm>> -> memref<1x8192xf32, #tpu.memory_space<hbm>>
        %dma_start3A_277 = tpu.memref_squeeze %dma_start3A_276 : memref<1x8192xf32, #tpu.memory_space<hbm>> -> memref<8192xf32, #tpu.memory_space<hbm>>
        tpu.enqueue_dma source(%dma_start3A_277 : memref<8192xf32, #tpu.memory_space<hbm>>) target(%arg15 : memref<8192xf32, #tpu.memory_space<vmem>>) target_semaphore(%arg24 : memref<!tpu.dma_semaphore, #tpu.memory_space<semaphore_mem>>)
        %jit3A_278 = arith.constant 512 : i32
        %div3A_279 = arith.divsi %multiple_of3A_263, %jit3A_278 : i32
        %sign3A_280 = arith.constant 0 : i32
        %sign3A_281 = arith.cmpi sgt, %multiple_of3A_263, %sign3A_280 : i32
        %sign3A_282 = arith.extui %sign3A_281 : i1 to i32
        %sign3A_283 = arith.constant 0 : i32
        %sign3A_284 = arith.cmpi slt, %multiple_of3A_263, %sign3A_283 : i32
        %sign3A_285 = arith.extui %sign3A_284 : i1 to i32
        %sign3A_286 = arith.subi %sign3A_282, %sign3A_285 : i32
        %sign3A_287 = arith.constant 0 : i32
        %sign3A_288 = arith.cmpi sgt, %jit3A_278, %sign3A_287 : i32
        %sign3A_289 = arith.extui %sign3A_288 : i1 to i32
        %sign3A_290 = arith.constant 0 : i32
        %sign3A_291 = arith.cmpi slt, %jit3A_278, %sign3A_290 : i32
        %sign3A_292 = arith.extui %sign3A_291 : i1 to i32
        %sign3A_293 = arith.subi %sign3A_289, %sign3A_292 : i32
        %ne3A_294 = arith.cmpi ne, %sign3A_286, %sign3A_293 : i32
        %rem3A_295 = arith.remsi %multiple_of3A_263, %jit3A_278 : i32
        %ne3A_296 = arith.constant 0 : i32
        %ne3A_297 = arith.cmpi ne, %rem3A_295, %ne3A_296 : i32
        %and3A_298 = arith.andi %ne3A_294, %ne3A_297 : i1
        %sub3A_299 = arith.constant 1 : i32
        %sub3A_300 = arith.subi %div3A_279, %sub3A_299 : i32
        %select_n3A_301 = arith.select %and3A_298, %sub3A_300, %div3A_279 : i32
        %multiple_of3A_302 = tpu.assume_multiple %select_n3A_301, 16 : i32
        %dma_start3A_303 = tpu.memref_bitcast %arg4 : memref<32768x128xi8, #tpu.memory_space<hbm>> -> memref<8192x128xi32, #tpu.memory_space<hbm>>
        %dma_start3A_304 = arith.constant 0 : i32
        %dma_start3A_305 = tpu.memref_slice %dma_start3A_303[%multiple_of3A_302, %dma_start3A_304] : memref<8192x128xi32, #tpu.memory_space<hbm>> -> memref<16x128xi32, #tpu.memory_space<hbm>>
        %dma_start3A_306 = tpu.memref_bitcast %arg4 : memref<32768x128xi8, #tpu.memory_space<hbm>> -> memref<8192x128xi32, #tpu.memory_space<hbm>>
        %dma_start3A_307 = arith.constant 0 : i32
        %dma_start3A_308 = tpu.memref_slice %dma_start3A_306[%multiple_of3A_302, %dma_start3A_307] : memref<8192x128xi32, #tpu.memory_space<hbm>> -> memref<16x128xi32, #tpu.memory_space<hbm>>
        tpu.enqueue_dma source(%dma_start3A_308 : memref<16x128xi32, #tpu.memory_space<hbm>>) target(%arg17 : memref<16x128xi32, #tpu.memory_space<vmem>>) target_semaphore(%arg24 : memref<!tpu.dma_semaphore, #tpu.memory_space<semaphore_mem>>)
      } else {
      }
      %dma_wait3A_202 = arith.constant 0 : i32
      %dma_wait3A_203 = tpu.memref_slice %arg2[%dma_wait3A_202] : memref<4194304xf32, #tpu.memory_space<hbm>> -> memref<8192xf32, #tpu.memory_space<hbm>>
      %dma_wait3A_204 = arith.constant 0 : i32
      %dma_wait3A_205 = tpu.memref_slice %arg2[%dma_wait3A_204] : memref<4194304xf32, #tpu.memory_space<hbm>> -> memref<8192xf32, #tpu.memory_space<hbm>>
      tpu.wait_dma2 semaphore(%arg25 : memref<!tpu.dma_semaphore, #tpu.memory_space<semaphore_mem>>) src(%dma_wait3A_205 : memref<8192xf32, #tpu.memory_space<hbm>>) dst(%arg10 : memref<8192xf32, #tpu.memory_space<vmem>>)
      %dma_wait3A_206 = arith.constant 0 : i32
      %dma_wait3A_207 = tpu.memref_slice %arg3[%dma_wait3A_206] : memref<4194304xf32, #tpu.memory_space<hbm>> -> memref<8192xf32, #tpu.memory_space<hbm>>
      %dma_wait3A_208 = arith.constant 0 : i32
      %dma_wait3A_209 = tpu.memref_slice %arg3[%dma_wait3A_208] : memref<4194304xf32, #tpu.memory_space<hbm>> -> memref<8192xf32, #tpu.memory_space<hbm>>
      tpu.wait_dma2 semaphore(%arg25 : memref<!tpu.dma_semaphore, #tpu.memory_space<semaphore_mem>>) src(%dma_wait3A_209 : memref<8192xf32, #tpu.memory_space<hbm>>) dst(%arg12 : memref<8192xf32, #tpu.memory_space<vmem>>)
      %dma_wait3A_210 = arith.constant 0 : i32
      %dma_wait3A_211 = arith.constant 0 : i32
      %dma_wait3A_212 = tpu.memref_slice %arg5[%dma_wait3A_210, %dma_wait3A_211] : memref<2x4194304xf32, #tpu.memory_space<hbm>> -> memref<1x8192xf32, #tpu.memory_space<hbm>>
      %dma_wait3A_213 = tpu.memref_squeeze %dma_wait3A_212 : memref<1x8192xf32, #tpu.memory_space<hbm>> -> memref<8192xf32, #tpu.memory_space<hbm>>
      %dma_wait3A_214 = arith.constant 0 : i32
      %dma_wait3A_215 = tpu.memref_slice %arg5[%dma_wait3A_210, %dma_wait3A_214] : memref<2x4194304xf32, #tpu.memory_space<hbm>> -> memref<1x8192xf32, #tpu.memory_space<hbm>>
      %dma_wait3A_216 = tpu.memref_squeeze %dma_wait3A_215 : memref<1x8192xf32, #tpu.memory_space<hbm>> -> memref<8192xf32, #tpu.memory_space<hbm>>
      tpu.wait_dma2 semaphore(%arg25 : memref<!tpu.dma_semaphore, #tpu.memory_space<semaphore_mem>>) src(%dma_wait3A_216 : memref<8192xf32, #tpu.memory_space<hbm>>) dst(%arg14 : memref<8192xf32, #tpu.memory_space<vmem>>)
      %dma_wait3A_217 = arith.constant 1 : i32
      %dma_wait3A_218 = arith.constant 0 : i32
      %dma_wait3A_219 = tpu.memref_slice %arg5[%dma_wait3A_217, %dma_wait3A_218] : memref<2x4194304xf32, #tpu.memory_space<hbm>> -> memref<1x8192xf32, #tpu.memory_space<hbm>>
      %dma_wait3A_220 = tpu.memref_squeeze %dma_wait3A_219 : memref<1x8192xf32, #tpu.memory_space<hbm>> -> memref<8192xf32, #tpu.memory_space<hbm>>
      %dma_wait3A_221 = arith.constant 0 : i32
      %dma_wait3A_222 = tpu.memref_slice %arg5[%dma_wait3A_217, %dma_wait3A_221] : memref<2x4194304xf32, #tpu.memory_space<hbm>> -> memref<1x8192xf32, #tpu.memory_space<hbm>>
      %dma_wait3A_223 = tpu.memref_squeeze %dma_wait3A_222 : memref<1x8192xf32, #tpu.memory_space<hbm>> -> memref<8192xf32, #tpu.memory_space<hbm>>
      tpu.wait_dma2 semaphore(%arg25 : memref<!tpu.dma_semaphore, #tpu.memory_space<semaphore_mem>>) src(%dma_wait3A_223 : memref<8192xf32, #tpu.memory_space<hbm>>) dst(%arg16 : memref<8192xf32, #tpu.memory_space<vmem>>)
      %dma_wait3A_224 = tpu.memref_bitcast %arg4 : memref<32768x128xi8, #tpu.memory_space<hbm>> -> memref<8192x128xi32, #tpu.memory_space<hbm>>
      %dma_wait3A_225 = arith.constant 0 : i32
      %dma_wait3A_226 = arith.constant 0 : i32
      %dma_wait3A_227 = tpu.memref_slice %dma_wait3A_224[%dma_wait3A_225, %dma_wait3A_226] : memref<8192x128xi32, #tpu.memory_space<hbm>> -> memref<16x128xi32, #tpu.memory_space<hbm>>
      %dma_wait3A_228 = tpu.memref_bitcast %arg4 : memref<32768x128xi8, #tpu.memory_space<hbm>> -> memref<8192x128xi32, #tpu.memory_space<hbm>>
      %dma_wait3A_229 = arith.constant 0 : i32
      %dma_wait3A_230 = arith.constant 0 : i32
      %dma_wait3A_231 = tpu.memref_slice %dma_wait3A_228[%dma_wait3A_229, %dma_wait3A_230] : memref<8192x128xi32, #tpu.memory_space<hbm>> -> memref<16x128xi32, #tpu.memory_space<hbm>>
      tpu.wait_dma2 semaphore(%arg25 : memref<!tpu.dma_semaphore, #tpu.memory_space<semaphore_mem>>) src(%dma_wait3A_231 : memref<16x128xi32, #tpu.memory_space<hbm>>) dst(%arg18 : memref<16x128xi32, #tpu.memory_space<vmem>>)
      %gt3A_232 = arith.constant 0 : i32
      %gt3A_233 = arith.cmpi sgt, %scan3A_143, %gt3A_232 : i32
      %convert_element_type3A_234 = arith.extui %gt3A_233 : i1 to i32
      %cond3A_235 = arith.constant 0 : i32
      %cond3A_236 = arith.cmpi ne, %convert_element_type3A_234, %cond3A_235 : i32
      scf.if %cond3A_236 {
        %dma_wait3A_258 = arith.constant 0 : i32
        %dma_wait3A_259 = tpu.memref_slice %arg7[%dma_wait3A_258] : memref<4194304xf32, #tpu.memory_space<hbm>> -> memref<8192xf32, #tpu.memory_space<hbm>>
        %dma_wait3A_260 = arith.constant 0 : i32
        %dma_wait3A_261 = tpu.memref_slice %arg7[%dma_wait3A_260] : memref<4194304xf32, #tpu.memory_space<hbm>> -> memref<8192xf32, #tpu.memory_space<hbm>>
        tpu.wait_dma2 semaphore(%arg27 : memref<!tpu.dma_semaphore, #tpu.memory_space<semaphore_mem>>) src(%arg20 : memref<8192xf32, #tpu.memory_space<vmem>>) dst(%dma_wait3A_261 : memref<8192xf32, #tpu.memory_space<hbm>>)
        %dma_wait3A_262 = arith.constant 0 : i32
        %dma_wait3A_263 = tpu.memref_slice %arg8[%dma_wait3A_262] : memref<4194304xf32, #tpu.memory_space<hbm>> -> memref<8192xf32, #tpu.memory_space<hbm>>
        %dma_wait3A_264 = arith.constant 0 : i32
        %dma_wait3A_265 = tpu.memref_slice %arg8[%dma_wait3A_264] : memref<4194304xf32, #tpu.memory_space<hbm>> -> memref<8192xf32, #tpu.memory_space<hbm>>
        tpu.wait_dma2 semaphore(%arg27 : memref<!tpu.dma_semaphore, #tpu.memory_space<semaphore_mem>>) src(%arg22 : memref<8192xf32, #tpu.memory_space<vmem>>) dst(%dma_wait3A_265 : memref<8192xf32, #tpu.memory_space<hbm>>)
      } else {
      }
      %scan3A_237 = arith.constant 0 : i32
      %scan3A_238 = arith.constant 0 : i32
      %scan3A_239 = arith.constant 128 : i32
      %scan3A_240 = arith.addi %scan3A_238, %scan3A_239 : i32
      %scan3A_241 = arith.constant 1 : i32
      scf.for %scan3A_258 = %scan3A_238 to %scan3A_240 step %scan3A_241  : i32 {
        %shift_right_logical3A = arith.constant 3 : i32
        %shift_right_logical3A_259 = arith.shrui %scan3A_258, %shift_right_logical3A : i32
        %and3A_260 = arith.constant 7 : i32
        %and3A_261 = arith.andi %scan3A_258, %and3A_260 : i32
        %mul3A_262 = arith.constant 16 : i32
        %mul3A_263 = arith.muli %and3A_261, %mul3A_262 : i32
        %get3A_264 = arith.index_cast %shift_right_logical3A_259 : i32 to index
        %get3A_265 = arith.index_cast %mul3A_263 : i32 to index
        %get3A_266 = tpu.vector_load %arg18[%get3A_264, %get3A_265] {strides = array<i32>} : memref<16x128xi32, #tpu.memory_space<vmem>>, vector<1x16xi32>,
        %get3A_267 = vector.shape_cast %get3A_266 : vector<1x16xi32> to vector<16xi32>
        %mul3A_268 = arith.constant 512 : i32
        %mul3A_269 = arith.muli %shift_right_logical3A_259, %mul3A_268 : i32
        %add3A_270 = arith.constant 0 : i32
        %add3A_271 = arith.addi %mul3A_269, %add3A_270 : i32
        %add3A_272 = arith.addi %add3A_271, %mul3A_263 : i32
        %shift_right_logical3A_273 = arith.constant 0 : i32
        %shift_right_logical3A_274 = vector.broadcast %shift_right_logical3A_273 : i32 to vector<16xi32>
        %shift_right_logical3A_275 = arith.shrui %get3A_267, %shift_right_logical3A_274 : vector<16xi32>
        %and3A_276 = arith.constant 1 : i32
        %and3A_277 = vector.broadcast %and3A_276 : i32 to vector<16xi32>
        %and3A_278 = arith.andi %shift_right_logical3A_275, %and3A_277 : vector<16xi32>
        %ne3A_279 = arith.constant 0 : i32
        %ne3A_280 = vector.broadcast %ne3A_279 : i32 to vector<16xi32>
        %ne3A_281 = arith.cmpi ne, %and3A_278, %ne3A_280 : vector<16xi32>
        %get3A_282 = arith.index_cast %add3A_272 : i32 to index
        %get3A_283 = tpu.vector_load %arg14[%get3A_282] {strides = array<i32>} : memref<8192xf32, #tpu.memory_space<vmem>>, vector<16xf32>,
        %get3A_284 = vector.shape_cast %get3A_283 : vector<16xf32> to vector<16xf32>
        %get3A_285 = arith.index_cast %add3A_272 : i32 to index
        %get3A_286 = tpu.vector_load %arg16[%get3A_285] {strides = array<i32>} : memref<8192xf32, #tpu.memory_space<vmem>>, vector<16xf32>,
        %get3A_287 = vector.shape_cast %get3A_286 : vector<16xf32> to vector<16xf32>
        %get3A_288 = arith.index_cast %add3A_272 : i32 to index
        %get3A_289 = tpu.vector_load %arg10[%get3A_288] {strides = array<i32>} : memref<8192xf32, #tpu.memory_space<vmem>>, vector<16xf32>,
        %get3A_290 = vector.shape_cast %get3A_289 : vector<16xf32> to vector<16xf32>
        %get3A_291 = arith.index_cast %add3A_272 : i32 to index
        %get3A_292 = tpu.vector_load %arg12[%get3A_291] {strides = array<i32>} : memref<8192xf32, #tpu.memory_space<vmem>>, vector<16xf32>,
        %get3A_293 = vector.shape_cast %get3A_292 : vector<16xf32> to vector<16xf32>
        %lt3A_294 = arith.cmpf olt, %gather3A_117, %get3A_284 : vector<16xf32>
        %lt3A_295 = arith.cmpf olt, %gather3A_122, %get3A_284 : vector<16xf32>
        %select_n3A_296 = arith.select %lt3A_295, %gather3A_107, %gather3A_102 : vector<16xi1>, vector<16xf32>
        %lt3A_297 = arith.cmpf olt, %gather3A_112, %get3A_284 : vector<16xf32>
        %select_n3A_298 = arith.select %lt3A_297, %gather3A_97, %gather3A_92 : vector<16xi1>, vector<16xf32>
        %select_n3A_299 = arith.select %lt3A_294, %select_n3A_296, %select_n3A_298 : vector<16xi1>, vector<16xf32>
        %lt3A_300 = arith.constant 5.000000e-01 : f32
        %lt3A_301 = vector.broadcast %lt3A_300 : f32 to vector<16xf32>
        %lt3A_302 = arith.cmpf olt, %get3A_287, %lt3A_301 : vector<16xf32>
        %and3A_303 = arith.andi %ne3A_281, %lt3A_302 : vector<16xi1>
        %select_n3A_304 = arith.select %and3A_303, %select_n3A_299, %get3A_293 : vector<16xi1>, vector<16xf32>
        %swap3A = arith.index_cast %add3A_272 : i32 to index
        %swap3A_305 = tpu.vector_load %arg20[%swap3A] {strides = array<i32>} : memref<8192xf32, #tpu.memory_space<vmem>>, vector<16xf32>,
        %swap3A_306 = vector.shape_cast %swap3A_305 : vector<16xf32> to vector<16xf32>
        %swap3A_307 = vector.shape_cast %select_n3A_304 : vector<16xf32> to vector<16xf32>
        tpu.vector_store %arg20[%swap3A], %swap3A_307 {strides = array<i32>} : memref<8192xf32, #tpu.memory_space<vmem>>, vector<16xf32>,
        %sub3A_308 = arith.subf %get3A_290, %get3A_293 : vector<16xf32>
        %add3A_309 = arith.addf %select_n3A_299, %sub3A_308 : vector<16xf32>
        %select_n3A_310 = arith.select %and3A_303, %add3A_309, %get3A_290 : vector<16xi1>, vector<16xf32>
        %swap3A_311 = arith.index_cast %add3A_272 : i32 to index
        %swap3A_312 = tpu.vector_load %arg22[%swap3A_311] {strides = array<i32>} : memref<8192xf32, #tpu.memory_space<vmem>>, vector<16xf32>,
        %swap3A_313 = vector.shape_cast %swap3A_312 : vector<16xf32> to vector<16xf32>
        %swap3A_314 = vector.shape_cast %select_n3A_310 : vector<16xf32> to vector<16xf32>
        tpu.vector_store %arg22[%swap3A_311], %swap3A_314 {strides = array<i32>} : memref<8192xf32, #tpu.memory_space<vmem>>, vector<16xf32>,
        %mul3A_315 = arith.constant 512 : i32
        %mul3A_316 = arith.muli %shift_right_logical3A_259, %mul3A_315 : i32
        %add3A_317 = arith.constant 128 : i32
        %add3A_318 = arith.addi %mul3A_316, %add3A_317 : i32
        %add3A_319 = arith.addi %add3A_318, %mul3A_263 : i32
        %shift_right_logical3A_320 = arith.constant 8 : i32
        %shift_right_logical3A_321 = vector.broadcast %shift_right_logical3A_320 : i32 to vector<16xi32>
        %shift_right_logical3A_322 = arith.shrui %get3A_267, %shift_right_logical3A_321 : vector<16xi32>
        %and3A_323 = arith.constant 1 : i32
        %and3A_324 = vector.broadcast %and3A_323 : i32 to vector<16xi32>
        %and3A_325 = arith.andi %shift_right_logical3A_322, %and3A_324 : vector<16xi32>
        %ne3A_326 = arith.constant 0 : i32
        %ne3A_327 = vector.broadcast %ne3A_326 : i32 to vector<16xi32>
        %ne3A_328 = arith.cmpi ne, %and3A_325, %ne3A_327 : vector<16xi32>
        %get3A_329 = arith.index_cast %add3A_319 : i32 to index
        %get3A_330 = tpu.vector_load %arg14[%get3A_329] {strides = array<i32>} : memref<8192xf32, #tpu.memory_space<vmem>>, vector<16xf32>,
        %get3A_331 = vector.shape_cast %get3A_330 : vector<16xf32> to vector<16xf32>
        %get3A_332 = arith.index_cast %add3A_319 : i32 to index
        %get3A_333 = tpu.vector_load %arg16[%get3A_332] {strides = array<i32>} : memref<8192xf32, #tpu.memory_space<vmem>>, vector<16xf32>,
        %get3A_334 = vector.shape_cast %get3A_333 : vector<16xf32> to vector<16xf32>
        %get3A_335 = arith.index_cast %add3A_319 : i32 to index
        %get3A_336 = tpu.vector_load %arg10[%get3A_335] {strides = array<i32>} : memref<8192xf32, #tpu.memory_space<vmem>>, vector<16xf32>,
        %get3A_337 = vector.shape_cast %get3A_336 : vector<16xf32> to vector<16xf32>
        %get3A_338 = arith.index_cast %add3A_319 : i32 to index
        %get3A_339 = tpu.vector_load %arg12[%get3A_338] {strides = array<i32>} : memref<8192xf32, #tpu.memory_space<vmem>>, vector<16xf32>,
        %get3A_340 = vector.shape_cast %get3A_339 : vector<16xf32> to vector<16xf32>
        %lt3A_341 = arith.cmpf olt, %gather3A_117, %get3A_331 : vector<16xf32>
        %lt3A_342 = arith.cmpf olt, %gather3A_122, %get3A_331 : vector<16xf32>
        %select_n3A_343 = arith.select %lt3A_342, %gather3A_107, %gather3A_102 : vector<16xi1>, vector<16xf32>
        %lt3A_344 = arith.cmpf olt, %gather3A_112, %get3A_331 : vector<16xf32>
        %select_n3A_345 = arith.select %lt3A_344, %gather3A_97, %gather3A_92 : vector<16xi1>, vector<16xf32>
        %select_n3A_346 = arith.select %lt3A_341, %select_n3A_343, %select_n3A_345 : vector<16xi1>, vector<16xf32>
        %lt3A_347 = arith.constant 5.000000e-01 : f32
        %lt3A_348 = vector.broadcast %lt3A_347 : f32 to vector<16xf32>
        %lt3A_349 = arith.cmpf olt, %get3A_334, %lt3A_348 : vector<16xf32>
        %and3A_350 = arith.andi %ne3A_328, %lt3A_349 : vector<16xi1>
        %select_n3A_351 = arith.select %and3A_350, %select_n3A_346, %get3A_340 : vector<16xi1>, vector<16xf32>
        %swap3A_352 = arith.index_cast %add3A_319 : i32 to index
        %swap3A_353 = tpu.vector_load %arg20[%swap3A_352] {strides = array<i32>} : memref<8192xf32, #tpu.memory_space<vmem>>, vector<16xf32>,
        %swap3A_354 = vector.shape_cast %swap3A_353 : vector<16xf32> to vector<16xf32>
        %swap3A_355 = vector.shape_cast %select_n3A_351 : vector<16xf32> to vector<16xf32>
        tpu.vector_store %arg20[%swap3A_352], %swap3A_355 {strides = array<i32>} : memref<8192xf32, #tpu.memory_space<vmem>>, vector<16xf32>,
        %sub3A_356 = arith.subf %get3A_337, %get3A_340 : vector<16xf32>
        %add3A_357 = arith.addf %select_n3A_346, %sub3A_356 : vector<16xf32>
        %select_n3A_358 = arith.select %and3A_350, %add3A_357, %get3A_337 : vector<16xi1>, vector<16xf32>
        %swap3A_359 = arith.index_cast %add3A_319 : i32 to index
        %swap3A_360 = tpu.vector_load %arg22[%swap3A_359] {strides = array<i32>} : memref<8192xf32, #tpu.memory_space<vmem>>, vector<16xf32>,
        %swap3A_361 = vector.shape_cast %swap3A_360 : vector<16xf32> to vector<16xf32>
        %swap3A_362 = vector.shape_cast %select_n3A_358 : vector<16xf32> to vector<16xf32>
        tpu.vector_store %arg22[%swap3A_359], %swap3A_362 {strides = array<i32>} : memref<8192xf32, #tpu.memory_space<vmem>>, vector<16xf32>,
        %mul3A_363 = arith.constant 512 : i32
        %mul3A_364 = arith.muli %shift_right_logical3A_259, %mul3A_363 : i32
        %add3A_365 = arith.constant 256 : i32
        %add3A_366 = arith.addi %mul3A_364, %add3A_365 : i32
        %add3A_367 = arith.addi %add3A_366, %mul3A_263 : i32
        %shift_right_logical3A_368 = arith.constant 16 : i32
        %shift_right_logical3A_369 = vector.broadcast %shift_right_logical3A_368 : i32 to vector<16xi32>
        %shift_right_logical3A_370 = arith.shrui %get3A_267, %shift_right_logical3A_369 : vector<16xi32>
        %and3A_371 = arith.constant 1 : i32
        %and3A_372 = vector.broadcast %and3A_371 : i32 to vector<16xi32>
        %and3A_373 = arith.andi %shift_right_logical3A_370, %and3A_372 : vector<16xi32>
        %ne3A_374 = arith.constant 0 : i32
        %ne3A_375 = vector.broadcast %ne3A_374 : i32 to vector<16xi32>
        %ne3A_376 = arith.cmpi ne, %and3A_373, %ne3A_375 : vector<16xi32>
        %get3A_377 = arith.index_cast %add3A_367 : i32 to index
        %get3A_378 = tpu.vector_load %arg14[%get3A_377] {strides = array<i32>} : memref<8192xf32, #tpu.memory_space<vmem>>, vector<16xf32>,
        %get3A_379 = vector.shape_cast %get3A_378 : vector<16xf32> to vector<16xf32>
        %get3A_380 = arith.index_cast %add3A_367 : i32 to index
        %get3A_381 = tpu.vector_load %arg16[%get3A_380] {strides = array<i32>} : memref<8192xf32, #tpu.memory_space<vmem>>, vector<16xf32>,
        %get3A_382 = vector.shape_cast %get3A_381 : vector<16xf32> to vector<16xf32>
        %get3A_383 = arith.index_cast %add3A_367 : i32 to index
        %get3A_384 = tpu.vector_load %arg10[%get3A_383] {strides = array<i32>} : memref<8192xf32, #tpu.memory_space<vmem>>, vector<16xf32>,
        %get3A_385 = vector.shape_cast %get3A_384 : vector<16xf32> to vector<16xf32>
        %get3A_386 = arith.index_cast %add3A_367 : i32 to index
        %get3A_387 = tpu.vector_load %arg12[%get3A_386] {strides = array<i32>} : memref<8192xf32, #tpu.memory_space<vmem>>, vector<16xf32>,
        %get3A_388 = vector.shape_cast %get3A_387 : vector<16xf32> to vector<16xf32>
        %lt3A_389 = arith.cmpf olt, %gather3A_117, %get3A_379 : vector<16xf32>
        %lt3A_390 = arith.cmpf olt, %gather3A_122, %get3A_379 : vector<16xf32>
        %select_n3A_391 = arith.select %lt3A_390, %gather3A_107, %gather3A_102 : vector<16xi1>, vector<16xf32>
        %lt3A_392 = arith.cmpf olt, %gather3A_112, %get3A_379 : vector<16xf32>
        %select_n3A_393 = arith.select %lt3A_392, %gather3A_97, %gather3A_92 : vector<16xi1>, vector<16xf32>
        %select_n3A_394 = arith.select %lt3A_389, %select_n3A_391, %select_n3A_393 : vector<16xi1>, vector<16xf32>
        %lt3A_395 = arith.constant 5.000000e-01 : f32
        %lt3A_396 = vector.broadcast %lt3A_395 : f32 to vector<16xf32>
        %lt3A_397 = arith.cmpf olt, %get3A_382, %lt3A_396 : vector<16xf32>
        %and3A_398 = arith.andi %ne3A_376, %lt3A_397 : vector<16xi1>
        %select_n3A_399 = arith.select %and3A_398, %select_n3A_394, %get3A_388 : vector<16xi1>, vector<16xf32>
        %swap3A_400 = arith.index_cast %add3A_367 : i32 to index
        %swap3A_401 = tpu.vector_load %arg20[%swap3A_400] {strides = array<i32>} : memref<8192xf32, #tpu.memory_space<vmem>>, vector<16xf32>,
        %swap3A_402 = vector.shape_cast %swap3A_401 : vector<16xf32> to vector<16xf32>
        %swap3A_403 = vector.shape_cast %select_n3A_399 : vector<16xf32> to vector<16xf32>
        tpu.vector_store %arg20[%swap3A_400], %swap3A_403 {strides = array<i32>} : memref<8192xf32, #tpu.memory_space<vmem>>, vector<16xf32>,
        %sub3A_404 = arith.subf %get3A_385, %get3A_388 : vector<16xf32>
        %add3A_405 = arith.addf %select_n3A_394, %sub3A_404 : vector<16xf32>
        %select_n3A_406 = arith.select %and3A_398, %add3A_405, %get3A_385 : vector<16xi1>, vector<16xf32>
        %swap3A_407 = arith.index_cast %add3A_367 : i32 to index
        %swap3A_408 = tpu.vector_load %arg22[%swap3A_407] {strides = array<i32>} : memref<8192xf32, #tpu.memory_space<vmem>>, vector<16xf32>,
        %swap3A_409 = vector.shape_cast %swap3A_408 : vector<16xf32> to vector<16xf32>
        %swap3A_410 = vector.shape_cast %select_n3A_406 : vector<16xf32> to vector<16xf32>
        tpu.vector_store %arg22[%swap3A_407], %swap3A_410 {strides = array<i32>} : memref<8192xf32, #tpu.memory_space<vmem>>, vector<16xf32>,
        %mul3A_411 = arith.constant 512 : i32
        %mul3A_412 = arith.muli %shift_right_logical3A_259, %mul3A_411 : i32
        %add3A_413 = arith.constant 384 : i32
        %add3A_414 = arith.addi %mul3A_412, %add3A_413 : i32
        %add3A_415 = arith.addi %add3A_414, %mul3A_263 : i32
        %shift_right_logical3A_416 = arith.constant 24 : i32
        %shift_right_logical3A_417 = vector.broadcast %shift_right_logical3A_416 : i32 to vector<16xi32>
        %shift_right_logical3A_418 = arith.shrui %get3A_267, %shift_right_logical3A_417 : vector<16xi32>
        %and3A_419 = arith.constant 1 : i32
        %and3A_420 = vector.broadcast %and3A_419 : i32 to vector<16xi32>
        %and3A_421 = arith.andi %shift_right_logical3A_418, %and3A_420 : vector<16xi32>
        %ne3A_422 = arith.constant 0 : i32
        %ne3A_423 = vector.broadcast %ne3A_422 : i32 to vector<16xi32>
        %ne3A_424 = arith.cmpi ne, %and3A_421, %ne3A_423 : vector<16xi32>
        %get3A_425 = arith.index_cast %add3A_415 : i32 to index
        %get3A_426 = tpu.vector_load %arg14[%get3A_425] {strides = array<i32>} : memref<8192xf32, #tpu.memory_space<vmem>>, vector<16xf32>,
        %get3A_427 = vector.shape_cast %get3A_426 : vector<16xf32> to vector<16xf32>
        %get3A_428 = arith.index_cast %add3A_415 : i32 to index
        %get3A_429 = tpu.vector_load %arg16[%get3A_428] {strides = array<i32>} : memref<8192xf32, #tpu.memory_space<vmem>>, vector<16xf32>,
        %get3A_430 = vector.shape_cast %get3A_429 : vector<16xf32> to vector<16xf32>
        %get3A_431 = arith.index_cast %add3A_415 : i32 to index
        %get3A_432 = tpu.vector_load %arg10[%get3A_431] {strides = array<i32>} : memref<8192xf32, #tpu.memory_space<vmem>>, vector<16xf32>,
        %get3A_433 = vector.shape_cast %get3A_432 : vector<16xf32> to vector<16xf32>
        %get3A_434 = arith.index_cast %add3A_415 : i32 to index
        %get3A_435 = tpu.vector_load %arg12[%get3A_434] {strides = array<i32>} : memref<8192xf32, #tpu.memory_space<vmem>>, vector<16xf32>,
        %get3A_436 = vector.shape_cast %get3A_435 : vector<16xf32> to vector<16xf32>
        %lt3A_437 = arith.cmpf olt, %gather3A_117, %get3A_427 : vector<16xf32>
        %lt3A_438 = arith.cmpf olt, %gather3A_122, %get3A_427 : vector<16xf32>
        %select_n3A_439 = arith.select %lt3A_438, %gather3A_107, %gather3A_102 : vector<16xi1>, vector<16xf32>
        %lt3A_440 = arith.cmpf olt, %gather3A_112, %get3A_427 : vector<16xf32>
        %select_n3A_441 = arith.select %lt3A_440, %gather3A_97, %gather3A_92 : vector<16xi1>, vector<16xf32>
        %select_n3A_442 = arith.select %lt3A_437, %select_n3A_439, %select_n3A_441 : vector<16xi1>, vector<16xf32>
        %lt3A_443 = arith.constant 5.000000e-01 : f32
        %lt3A_444 = vector.broadcast %lt3A_443 : f32 to vector<16xf32>
        %lt3A_445 = arith.cmpf olt, %get3A_430, %lt3A_444 : vector<16xf32>
        %and3A_446 = arith.andi %ne3A_424, %lt3A_445 : vector<16xi1>
        %select_n3A_447 = arith.select %and3A_446, %select_n3A_442, %get3A_436 : vector<16xi1>, vector<16xf32>
        %swap3A_448 = arith.index_cast %add3A_415 : i32 to index
        %swap3A_449 = tpu.vector_load %arg20[%swap3A_448] {strides = array<i32>} : memref<8192xf32, #tpu.memory_space<vmem>>, vector<16xf32>,
        %swap3A_450 = vector.shape_cast %swap3A_449 : vector<16xf32> to vector<16xf32>
        %swap3A_451 = vector.shape_cast %select_n3A_447 : vector<16xf32> to vector<16xf32>
        tpu.vector_store %arg20[%swap3A_448], %swap3A_451 {strides = array<i32>} : memref<8192xf32, #tpu.memory_space<vmem>>, vector<16xf32>,
        %sub3A_452 = arith.subf %get3A_433, %get3A_436 : vector<16xf32>
        %add3A_453 = arith.addf %select_n3A_442, %sub3A_452 : vector<16xf32>
        %select_n3A_454 = arith.select %and3A_446, %add3A_453, %get3A_433 : vector<16xi1>, vector<16xf32>
        %swap3A_455 = arith.index_cast %add3A_415 : i32 to index
        %swap3A_456 = tpu.vector_load %arg22[%swap3A_455] {strides = array<i32>} : memref<8192xf32, #tpu.memory_space<vmem>>, vector<16xf32>,
        %swap3A_457 = vector.shape_cast %swap3A_456 : vector<16xf32> to vector<16xf32>
        %swap3A_458 = vector.shape_cast %select_n3A_454 : vector<16xf32> to vector<16xf32>
        tpu.vector_store %arg22[%swap3A_455], %swap3A_458 {strides = array<i32>} : memref<8192xf32, #tpu.memory_space<vmem>>, vector<16xf32>,
      }
      %scan3A_242 = arith.constant 128 : i32
      %mul3A_243 = arith.constant 8192 : i32
      %mul3A_244 = arith.muli %add3A_149, %mul3A_243 : i32
      %add3A_245 = arith.addi %mul3A_2, %mul3A_244 : i32
      %multiple_of3A_246 = tpu.assume_multiple %add3A_245, 4096 : i32
      %dma_start3A_247 = tpu.memref_slice %arg7[%multiple_of3A_246] : memref<4194304xf32, #tpu.memory_space<hbm>> -> memref<8192xf32, #tpu.memory_space<hbm>>
      %dma_start3A_248 = tpu.memref_slice %arg7[%multiple_of3A_246] : memref<4194304xf32, #tpu.memory_space<hbm>> -> memref<8192xf32, #tpu.memory_space<hbm>>
      tpu.enqueue_dma source(%arg20 : memref<8192xf32, #tpu.memory_space<vmem>>) target(%dma_start3A_248 : memref<8192xf32, #tpu.memory_space<hbm>>) target_semaphore(%arg27 : memref<!tpu.dma_semaphore, #tpu.memory_space<semaphore_mem>>)
      %dma_start3A_249 = tpu.memref_slice %arg8[%multiple_of3A_246] : memref<4194304xf32, #tpu.memory_space<hbm>> -> memref<8192xf32, #tpu.memory_space<hbm>>
      %dma_start3A_250 = tpu.memref_slice %arg8[%multiple_of3A_246] : memref<4194304xf32, #tpu.memory_space<hbm>> -> memref<8192xf32, #tpu.memory_space<hbm>>
      tpu.enqueue_dma source(%arg22 : memref<8192xf32, #tpu.memory_space<vmem>>) target(%dma_start3A_250 : memref<8192xf32, #tpu.memory_space<hbm>>) target_semaphore(%arg27 : memref<!tpu.dma_semaphore, #tpu.memory_space<semaphore_mem>>)
      %add3A_251 = arith.constant 1 : i32
      %add3A_252 = arith.addi %scan3A_143, %add3A_251 : i32
      %lt3A_253 = arith.constant 8 : i32
      %lt3A_254 = arith.cmpi slt, %add3A_252, %lt3A_253 : i32
      %convert_element_type3A_255 = arith.extui %lt3A_254 : i1 to i32
      %cond3A_256 = arith.constant 0 : i32
      %cond3A_257 = arith.cmpi ne, %convert_element_type3A_255, %cond3A_256 : i32
      scf.if %cond3A_257 {
        %add3A_258 = arith.constant 2 : i32
        %add3A_259 = arith.addi %add3A_149, %add3A_258 : i32
        %mul3A_260 = arith.constant 8192 : i32
        %mul3A_261 = arith.muli %add3A_259, %mul3A_260 : i32
        %add3A_262 = arith.addi %mul3A_2, %mul3A_261 : i32
        %multiple_of3A_263 = tpu.assume_multiple %add3A_262, 4096 : i32
        %dma_start3A_264 = tpu.memref_slice %arg2[%multiple_of3A_263] : memref<4194304xf32, #tpu.memory_space<hbm>> -> memref<8192xf32, #tpu.memory_space<hbm>>
        %dma_start3A_265 = tpu.memref_slice %arg2[%multiple_of3A_263] : memref<4194304xf32, #tpu.memory_space<hbm>> -> memref<8192xf32, #tpu.memory_space<hbm>>
        tpu.enqueue_dma source(%dma_start3A_265 : memref<8192xf32, #tpu.memory_space<hbm>>) target(%arg10 : memref<8192xf32, #tpu.memory_space<vmem>>) target_semaphore(%arg25 : memref<!tpu.dma_semaphore, #tpu.memory_space<semaphore_mem>>)
        %dma_start3A_266 = tpu.memref_slice %arg3[%multiple_of3A_263] : memref<4194304xf32, #tpu.memory_space<hbm>> -> memref<8192xf32, #tpu.memory_space<hbm>>
        %dma_start3A_267 = tpu.memref_slice %arg3[%multiple_of3A_263] : memref<4194304xf32, #tpu.memory_space<hbm>> -> memref<8192xf32, #tpu.memory_space<hbm>>
        tpu.enqueue_dma source(%dma_start3A_267 : memref<8192xf32, #tpu.memory_space<hbm>>) target(%arg12 : memref<8192xf32, #tpu.memory_space<vmem>>) target_semaphore(%arg25 : memref<!tpu.dma_semaphore, #tpu.memory_space<semaphore_mem>>)
        %dma_start3A_268 = arith.constant 0 : i32
        %dma_start3A_269 = tpu.memref_slice %arg5[%dma_start3A_268, %multiple_of3A_263] : memref<2x4194304xf32, #tpu.memory_space<hbm>> -> memref<1x8192xf32, #tpu.memory_space<hbm>>
        %dma_start3A_270 = tpu.memref_squeeze %dma_start3A_269 : memref<1x8192xf32, #tpu.memory_space<hbm>> -> memref<8192xf32, #tpu.memory_space<hbm>>
        %dma_start3A_271 = tpu.memref_slice %arg5[%dma_start3A_268, %multiple_of3A_263] : memref<2x4194304xf32, #tpu.memory_space<hbm>> -> memref<1x8192xf32, #tpu.memory_space<hbm>>
        %dma_start3A_272 = tpu.memref_squeeze %dma_start3A_271 : memref<1x8192xf32, #tpu.memory_space<hbm>> -> memref<8192xf32, #tpu.memory_space<hbm>>
        tpu.enqueue_dma source(%dma_start3A_272 : memref<8192xf32, #tpu.memory_space<hbm>>) target(%arg14 : memref<8192xf32, #tpu.memory_space<vmem>>) target_semaphore(%arg25 : memref<!tpu.dma_semaphore, #tpu.memory_space<semaphore_mem>>)
        %dma_start3A_273 = arith.constant 1 : i32
        %dma_start3A_274 = tpu.memref_slice %arg5[%dma_start3A_273, %multiple_of3A_263] : memref<2x4194304xf32, #tpu.memory_space<hbm>> -> memref<1x8192xf32, #tpu.memory_space<hbm>>
        %dma_start3A_275 = tpu.memref_squeeze %dma_start3A_274 : memref<1x8192xf32, #tpu.memory_space<hbm>> -> memref<8192xf32, #tpu.memory_space<hbm>>
        %dma_start3A_276 = tpu.memref_slice %arg5[%dma_start3A_273, %multiple_of3A_263] : memref<2x4194304xf32, #tpu.memory_space<hbm>> -> memref<1x8192xf32, #tpu.memory_space<hbm>>
        %dma_start3A_277 = tpu.memref_squeeze %dma_start3A_276 : memref<1x8192xf32, #tpu.memory_space<hbm>> -> memref<8192xf32, #tpu.memory_space<hbm>>
        tpu.enqueue_dma source(%dma_start3A_277 : memref<8192xf32, #tpu.memory_space<hbm>>) target(%arg16 : memref<8192xf32, #tpu.memory_space<vmem>>) target_semaphore(%arg25 : memref<!tpu.dma_semaphore, #tpu.memory_space<semaphore_mem>>)
        %jit3A_278 = arith.constant 512 : i32
        %div3A_279 = arith.divsi %multiple_of3A_263, %jit3A_278 : i32
        %sign3A_280 = arith.constant 0 : i32
        %sign3A_281 = arith.cmpi sgt, %multiple_of3A_263, %sign3A_280 : i32
        %sign3A_282 = arith.extui %sign3A_281 : i1 to i32
        %sign3A_283 = arith.constant 0 : i32
        %sign3A_284 = arith.cmpi slt, %multiple_of3A_263, %sign3A_283 : i32
        %sign3A_285 = arith.extui %sign3A_284 : i1 to i32
        %sign3A_286 = arith.subi %sign3A_282, %sign3A_285 : i32
        %sign3A_287 = arith.constant 0 : i32
        %sign3A_288 = arith.cmpi sgt, %jit3A_278, %sign3A_287 : i32
        %sign3A_289 = arith.extui %sign3A_288 : i1 to i32
        %sign3A_290 = arith.constant 0 : i32
        %sign3A_291 = arith.cmpi slt, %jit3A_278, %sign3A_290 : i32
        %sign3A_292 = arith.extui %sign3A_291 : i1 to i32
        %sign3A_293 = arith.subi %sign3A_289, %sign3A_292 : i32
        %ne3A_294 = arith.cmpi ne, %sign3A_286, %sign3A_293 : i32
        %rem3A_295 = arith.remsi %multiple_of3A_263, %jit3A_278 : i32
        %ne3A_296 = arith.constant 0 : i32
        %ne3A_297 = arith.cmpi ne, %rem3A_295, %ne3A_296 : i32
        %and3A_298 = arith.andi %ne3A_294, %ne3A_297 : i1
        %sub3A_299 = arith.constant 1 : i32
        %sub3A_300 = arith.subi %div3A_279, %sub3A_299 : i32
        %select_n3A_301 = arith.select %and3A_298, %sub3A_300, %div3A_279 : i32
        %multiple_of3A_302 = tpu.assume_multiple %select_n3A_301, 16 : i32
        %dma_start3A_303 = tpu.memref_bitcast %arg4 : memref<32768x128xi8, #tpu.memory_space<hbm>> -> memref<8192x128xi32, #tpu.memory_space<hbm>>
        %dma_start3A_304 = arith.constant 0 : i32
        %dma_start3A_305 = tpu.memref_slice %dma_start3A_303[%multiple_of3A_302, %dma_start3A_304] : memref<8192x128xi32, #tpu.memory_space<hbm>> -> memref<16x128xi32, #tpu.memory_space<hbm>>
        %dma_start3A_306 = tpu.memref_bitcast %arg4 : memref<32768x128xi8, #tpu.memory_space<hbm>> -> memref<8192x128xi32, #tpu.memory_space<hbm>>
        %dma_start3A_307 = arith.constant 0 : i32
        %dma_start3A_308 = tpu.memref_slice %dma_start3A_306[%multiple_of3A_302, %dma_start3A_307] : memref<8192x128xi32, #tpu.memory_space<hbm>> -> memref<16x128xi32, #tpu.memory_space<hbm>>
        tpu.enqueue_dma source(%dma_start3A_308 : memref<16x128xi32, #tpu.memory_space<hbm>>) target(%arg18 : memref<16x128xi32, #tpu.memory_space<vmem>>) target_semaphore(%arg25 : memref<!tpu.dma_semaphore, #tpu.memory_space<semaphore_mem>>)
      } else {
      }
    }
    %scan3A_127 = arith.constant 8 : i32
    %dma_wait3A = arith.constant 0 : i32
    %dma_wait3A_128 = tpu.memref_slice %arg7[%dma_wait3A] : memref<4194304xf32, #tpu.memory_space<hbm>> -> memref<8192xf32, #tpu.memory_space<hbm>>
    %dma_wait3A_129 = arith.constant 0 : i32
    %dma_wait3A_130 = tpu.memref_slice %arg7[%dma_wait3A_129] : memref<4194304xf32, #tpu.memory_space<hbm>> -> memref<8192xf32, #tpu.memory_space<hbm>>
    tpu.wait_dma2 semaphore(%arg26 : memref<!tpu.dma_semaphore, #tpu.memory_space<semaphore_mem>>) src(%arg19 : memref<8192xf32, #tpu.memory_space<vmem>>) dst(%dma_wait3A_130 : memref<8192xf32, #tpu.memory_space<hbm>>)
    %dma_wait3A_131 = arith.constant 0 : i32
    %dma_wait3A_132 = tpu.memref_slice %arg8[%dma_wait3A_131] : memref<4194304xf32, #tpu.memory_space<hbm>> -> memref<8192xf32, #tpu.memory_space<hbm>>
    %dma_wait3A_133 = arith.constant 0 : i32
    %dma_wait3A_134 = tpu.memref_slice %arg8[%dma_wait3A_133] : memref<4194304xf32, #tpu.memory_space<hbm>> -> memref<8192xf32, #tpu.memory_space<hbm>>
    tpu.wait_dma2 semaphore(%arg26 : memref<!tpu.dma_semaphore, #tpu.memory_space<semaphore_mem>>) src(%arg21 : memref<8192xf32, #tpu.memory_space<vmem>>) dst(%dma_wait3A_134 : memref<8192xf32, #tpu.memory_space<hbm>>)
    %dma_wait3A_135 = arith.constant 0 : i32
    %dma_wait3A_136 = tpu.memref_slice %arg7[%dma_wait3A_135] : memref<4194304xf32, #tpu.memory_space<hbm>> -> memref<8192xf32, #tpu.memory_space<hbm>>
    %dma_wait3A_137 = arith.constant 0 : i32
    %dma_wait3A_138 = tpu.memref_slice %arg7[%dma_wait3A_137] : memref<4194304xf32, #tpu.memory_space<hbm>> -> memref<8192xf32, #tpu.memory_space<hbm>>
    tpu.wait_dma2 semaphore(%arg27 : memref<!tpu.dma_semaphore, #tpu.memory_space<semaphore_mem>>) src(%arg20 : memref<8192xf32, #tpu.memory_space<vmem>>) dst(%dma_wait3A_138 : memref<8192xf32, #tpu.memory_space<hbm>>)
    %dma_wait3A_139 = arith.constant 0 : i32
    %dma_wait3A_140 = tpu.memref_slice %arg8[%dma_wait3A_139] : memref<4194304xf32, #tpu.memory_space<hbm>> -> memref<8192xf32, #tpu.memory_space<hbm>>
    %dma_wait3A_141 = arith.constant 0 : i32
    %dma_wait3A_142 = tpu.memref_slice %arg8[%dma_wait3A_141] : memref<4194304xf32, #tpu.memory_space<hbm>> -> memref<8192xf32, #tpu.memory_space<hbm>>
    tpu.wait_dma2 semaphore(%arg27 : memref<!tpu.dma_semaphore, #tpu.memory_space<semaphore_mem>>) src(%arg22 : memref<8192xf32, #tpu.memory_space<vmem>>) dst(%dma_wait3A_142 : memref<8192xf32, #tpu.memory_space<hbm>>)
    return
  }
}

</mosaic_0001>

<sc_bundles>
// kernel: kernel.3.cloned.1.call-start
scs
__scs_entry_jumppad:
0x0: {  	(pc) =	sbr.rel $0x88, $3  }
0x1: {  	(tag) =	ssettag $0x0;
	lr =	simm.s32 $0x1  }
0x2: {  	[smem:$0x3F9B] =	sst lr;
	_ =	strace $0xD0000000  }
0x3: {  	_ = 	snop  }
0x4: {  	_ = 	snop  }
0x5: {  	_ = 	snop  }
0x6: {  	_ = 	snop  }
0x7: {  	_ = 	snop  }
__scs_overlays_trampoline_lowered:
0x8: {  	[smem:$0x3FAA] =	sst s0  }
0x9: {  	[smem:$0x3FAB] =	sst s1  }
0xa: {  	[smem:$0x3FAC] =	sst s2  }
0xb: {  	[smem:$0x3FAD] =	sst s3  }
0xc: {  	[smem:$0x3FAE] =	sst s4  }
0xd: {  	[smem:$0x3FAF] =	sst s5  }
0xe: {  	[smem:$0x3FB0] =	sst s6  }
0xf: {  	[smem:$0x3FB1] =	sst s7  }
0x10: {  	[smem:$0x3FB2] =	sst s8  }
0x11: {  	[smem:$0x3FB3] =	sst s9;
	s0 =	simm.s32 @!p0 $0x0  }
0x12: {  	s1 =	sld [smem:$0x3F99];
	s0 =	simm.s32 @p0 $0x1  }
0x13: {  	[smem:$0x3FB4] =	sst s0;
	s0 =	simm.s32 @!p1 $0x0  }
0x14: {  	s2 =	sld [smem:$0x3F98];
	s0 =	simm.s32 @p1 $0x1  }
0x15: {  	[smem:$0x3FB5] =	sst s0;
	s0 =	simm.s32 @!p2 $0x0  }
0x16: {  	s3 =	sld [smem:$0x3FDB];
	s0 =	simm.s32 @p2 $0x1  }
0x17: {  	s4 =	simm.s32 $0x1BF5;
	[smem:$0x3FB7] =	sst s0  }
0x18: {  	s0 =	sld [smem:$0x3F9A];
	_ =	swait.ge [sflag:s4], $0x0  }
0x19: {  	s7 =	sld [smem:$0x3F9B]  }
0x1a: {  	s8 =	sadd.s32 $0xFFFFE003, lr  }
0x1b: {  	s9 =	sadd.s32 $0xFFFFFEF7, lr;
	s5 =	simm.s32 $0xFFFFFFFF;
	p2 =	slt.u32 s8, $0xFFFFF086  }
0x1c: {  	p1 =	slt.u32 s9, $0xF7A;
	s5 =	simm.s32 @!p2 $0x0  }
0x1d: {  	s5 =	simm.s32 @p1 $0x1;
	p0 =	seq.s32 s7, s2  }
0x1e: {  	s7 =	smul.u32 @!p0 $0xF7A, s2;
	p2 =	seq.s32 @!p0 s5, $0x0  }
0x1f: {  	s9 =	smul.u32 $0xF7A, s1;
	s8 =	simm.s32 @!p0 $0x1BF5;
	p2 =	por !p2, p0  }
0x20: {  	[sflag:s8] =	ssyncset.s32 @!p0 $0xFFFFF086;
	s6 =	sadd.s32 @!p0 s3, s7;
	s7 =	simm.s32 @!p0 $0x108  }
0x21: {  	s3 =	sadd.s32 s3, s9;
	s6 =	sadd.s32 @!p0 $0x88, s6;
	s7 =	simm.s32 @p2 $0x1082  }
0x22: {  	[simem:s7], [sflag:s8] =	dma.local @!p0 [hbm:s6], $0xF7A  }
0x23: {  	s9 =	sor.u32 $0xD0000000, s2;
	s6 =	simm.s32 $0x108;
	_ =	swait.ge @!p0 [sflag:s8], $0x0  }
0x24: {  	s3 =	sadd.s32 $0x88, s3;
	s6 =	simm.s32 @!p1 $0x1082;
	[sflag:s4] =	ssyncset.s32 $0xFFFFF086  }
0x25: {  	[simem:s6], [sflag:s4] =	dma.local [hbm:s3], $0xF7A  }
0x26: {  	[smem:$0x3F9B] =	sst s1;
	(tag) =	ssettag s2;
	_ =	strace s9  }
0x27: {  	s1 =	sld [smem:$0x3FAB]  }
0x28: {  	s2 =	sld [smem:$0x3FAC]  }
0x29: {  	s4 =	sld [smem:$0x3FAE]  }
0x2a: {  	p0 =	seq.s32 s5, $0x0;
	s5 =	sld [smem:$0x3FAF]  }
0x2b: {  	s6 =	sld [smem:$0x3FB0]  }
0x2c: {  	s7 =	sld [smem:$0x3FB1]  }
0x2d: {  	s3 =	simm.s32 $0x108;
	s8 =	sld [smem:$0x3FB2]  }
0x2e: {  	s3 =	simm.s32 @!p0 $0x1082;
	s9 =	sld [smem:$0x3FB3]  }
0x2f: {  	lr =	sadd.s32 s0, s3;
	s0 =	sld [smem:$0x3FAA]  }
0x30: {  	s3 =	sld [smem:$0x3FAD]  }
0x31: {  	[smem:$0x3FB6] =	sst s10  }
0x32: {  	s10 =	sld [smem:$0x3FB4];
	_ =	sdelay $0x3  }
0x33: {  	p0 =	seq.s32 s10, $0x1;
	s10 =	sld [smem:$0x3FB6];
	_ =	sdelay $0x3  }
0x34: {  	[smem:$0x3FB6] =	sst s10  }
0x35: {  	s10 =	sld [smem:$0x3FB5];
	_ =	sdelay $0x3  }
0x36: {  	p1 =	seq.s32 s10, $0x1;
	s10 =	sld [smem:$0x3FB6];
	_ =	sdelay $0x3  }
0x37: {  	[smem:$0x3FB6] =	sst s10  }
0x38: {  	s10 =	sld [smem:$0x3FB7]  }
0x39: {  	_ = 	snop;
	(pc) =	sbr.ind lr, $3  }
0x3a: {  	_ = 	snop  }
0x3b: {  	_ = 	snop  }
0x3c: {  	p2 =	seq.s32 s10, $0x1;
	s10 =	sld [smem:$0x3FB6]  }
0x3d: {  	_ =	shalt  }
0x3e: {  	_ =	shalt  }
0x3f: {  	_ =	shalt  }
0x40: {  	_ =	shalt  }
0x41: {  	_ =	shalt  }
0x42: {  	_ =	shalt  }
0x43: {  	_ =	shalt  }
0x44: {  	_ =	shalt  }
0x45: {  	_ =	shalt  }
0x46: {  	_ =	shalt  }
0x47: {  	_ =	shalt  }
0x48: {  	_ =	shalt  }
0x49: {  	_ =	shalt  }
0x4a: {  	_ =	shalt  }
0x4b: {  	_ =	shalt  }
0x4c: {  	_ =	shalt  }
0x4d: {  	_ =	shalt  }
0x4e: {  	_ =	shalt  }
0x4f: {  	_ =	shalt  }
0x50: {  	_ =	shalt  }
0x51: {  	_ =	shalt  }
0x52: {  	_ =	shalt  }
0x53: {  	_ =	shalt  }
0x54: {  	_ =	shalt  }
0x55: {  	_ =	shalt  }
0x56: {  	_ =	shalt  }
0x57: {  	_ =	shalt  }
0x58: {  	_ =	shalt  }
0x59: {  	_ =	shalt  }
0x5a: {  	_ =	shalt  }
0x5b: {  	_ =	shalt  }
0x5c: {  	_ =	shalt  }
0x5d: {  	_ =	shalt  }
0x5e: {  	_ =	shalt  }
0x5f: {  	_ =	shalt  }
0x60: {  	_ =	shalt  }
0x61: {  	_ =	shalt  }
0x62: {  	_ =	shalt  }
0x63: {  	_ =	shalt  }
0x64: {  	_ =	shalt  }
0x65: {  	_ =	shalt  }
0x66: {  	_ =	shalt  }
0x67: {  	_ =	shalt  }
0x68: {  	_ =	shalt  }
0x69: {  	_ =	shalt  }
0x6a: {  	_ =	shalt  }
0x6b: {  	_ =	shalt  }
0x6c: {  	_ =	shalt  }
0x6d: {  	_ =	shalt  }
0x6e: {  	_ =	shalt  }
0x6f: {  	_ =	shalt  }
0x70: {  	_ =	shalt  }
0x71: {  	_ =	shalt  }
0x72: {  	_ =	shalt  }
0x73: {  	_ =	shalt  }
0x74: {  	_ =	shalt  }
0x75: {  	_ =	shalt  }
0x76: {  	_ =	shalt  }
0x77: {  	_ =	shalt  }
0x78: {  	_ =	shalt  }
0x79: {  	_ =	shalt  }
0x7a: {  	_ =	shalt  }
0x7b: {  	_ =	shalt  }
0x7c: {  	_ =	shalt  }
0x7d: {  	_ =	shalt  }
0x7e: {  	_ =	shalt  }
0x7f: {  	_ =	shalt  }
0x80: {  	_ =	shalt  }
0x81: {  	_ =	shalt  }
0x82: {  	_ =	shalt  }
0x83: {  	_ =	shalt  }
0x84: {  	_ =	shalt  }
0x85: {  	_ =	shalt  }
0x86: {  	_ =	shalt  }
0x87: {  	_ =	shalt  }
.Lfunc_end0:
.L_simem_size_0:
called_computation_lowered:
.L_overlay_start_0:
0x88: {  	s2 =	sld [smem:$0x3FD9]  }
0x89: {  	s3 =	sld [smem:$0x3FFE];
	_ =	sdelay $0x1  }
0x8a: {  	s1 =	srdreg.scid  }
0x8b: {  	s0 =	sand.u32 $0x1, s1  }
0x8c: {  	s14 =	sshll.u32 s0, $0xA;
	s2 =	sadd.s32 s3, s2  }
0x8d: {  	s2 =	sadd.s32 s2, s14  }
0x8e: {  	[smem:$0x3FC2] =	sst s2  }
0x8f: {  	_ = 	snop  }
0x90: {  	s2 =	sld [smem:$0x3FD0]  }
0x91: {  	s15 =	sld [smem:$0x3FC9]  }
0x92: {  	s4 =	sld [smem:$0x3FC8]  }
0x93: {  	s6 =	simm.s32 $0xA;
	s7 =	simm.s32 $0x10;
	s5 =	sld [smem:$0x3FC6]  }
0x94: {  	[smem:s7], [sflag:s6] =	dma.local [hbm:s2], $0x1  }
0x95: {  	_ =	swait.eq [sflag:s6], $0x1  }
0x96: {  	[sflag:s6] =	ssyncset.done $0x0  }
0x97: {  	s16 =	sld [smem:$0x10];
	[sflag:s6] =	ssyncadd.s32 $0xFFFFFFFF  }
0x98: {  	s17 =	sld [smem:$0x11];
	(tm) =	ssettm $0x1  }
0x99: {  	s18 =	sld [smem:$0x3FFB];
	_ =	sdelay $0x3  }
0x9a: {  	_ =	strace s18  }
0x9b: {  	s7 =	sld [smem:$0x3FFC];
	_ =	sdelay $0x3  }
0x9c: {  	_ =	strace s7  }
0x9d: {  	s7 =	sld [smem:$0x3FFD];
	_ =	sdelay $0x3  }
0x9e: {  	_ =	strace s7  }
0x9f: {  	_ =	strace $0x8FFFFFFF  }
0xa0: {  	s19 =	sld [smem:$0x3FDB];
	_ =	sdelay $0x1  }
0xa1: {  	s8 =	simm.s32 $_scs_section_size  }
0xa2: {  	s9 =	simm.s32 $_size__tile_overlayer_lowered;
	s10 =	simm.s32 $_tile_overlayer_lowered  }
0xa3: {  	s22 =	simm.s32 $0x1BFF;
	s21 =	sshll.u32 s10, $0x1;
	s7 =	sadd.s32 s8, s19  }
0xa4: {  	s11 =	simm.s32 $0x0;
	s20 =	sshll.u32 s9, $0x1;
	s9 =	sadd.s32 s21, s7  }
0xa5: {  	[timem:s11], [sflag:s22] =	dma.local [hbm:s9], s20  }
0xa6: {  	_ =	swait.ge [sflag:s22], s20  }
0xa7: {  	s8 =	ssub.s32 $0x0, s20;
	[sflag:s22] =	ssyncset.done $0x0  }
0xa8: {  	[sflag:s22] =	ssyncadd.s32 s8;
	_ =	sdelay $0x1  }
0xa9: {  	s23 =	simm.s32 $0x1B8B  }
0xaa: {  	_ =	swait.ge [sflag:s23], $0x1  }
0xab: {  	[sflag:s23] =	ssyncset.done $0x0  }
0xac: {  	s25 =	simm.s32 $0x1B8E;
	s24 =	sld [smem:$0x3FFE];
	[sflag:s23] =	ssyncadd.s32 $0xFFFFFFFF  }
0xad: {  	s26 =	simm.s32 $execute0_lowered;
	[smem:$0x3FD2] =	sst s25  }
0xae: {  	s9 =	sshll.u32 s26, $0x1;
	_ =	strace $0x80000046;
	[dreg:$0x1] =	wrdreg $0xFFFFFFFF  }
0xaf: {  	s28 =	simm.s32 $_size_execute0_lowered;
	s7 =	sadd.s32 s7, s9;
	[dreg:$0x0] =	wrdreg $0x0  }
0xb0: {  	s9 =	sshll.u32 s28, $0x1;
	[dreg:$0x2] =	wrdreg s7  }
0xb1: {  	[dreg:$0x3] =	wrdreg s9  }
0xb2: {  	[dreg:$0x4] =	wrdreg $0xC0  }
0xb3: {  	_ =	task [dreg:s11], $0x5FFFF  }
0xb4: {  	[dreg:$0x1] =	wrdreg $0xFFFFFFFF  }
0xb5: {  	[dreg:$0x0] =	wrdreg $0x60  }
0xb6: {  	[dreg:$0x2] =	wrdreg s15  }
0xb7: {  	[dreg:$0x3] =	wrdreg s4  }
0xb8: {  	[dreg:$0x4] =	wrdreg s24  }
0xb9: {  	[dreg:$0x5] =	wrdreg s5  }
0xba: {  	[dreg:$0x6] =	wrdreg s16  }
0xbb: {  	[dreg:$0x7] =	wrdreg s17  }
0xbc: {  	[dreg:$0x8] =	wrdreg $0x9  }
0xbd: {  	_ =	task.clear_ibuf [dreg:s11], $0x9FFFF;
	_ =	strace $0x90000046  }
0xbe: {  	s29 =	simm.s32 $0x9;
	_ =	strace $0x80000048  }
0xbf: {  	_ =	swait.ge [sflag:s29], $0x1  }
0xc0: {  	[sflag:s29] =	ssyncadd.s32 $0xFFFFFFFF  }
0xc1: {  	_ =	strace $0x90000048  }
0xc2: {  	_ =	sfence  }
0xc3: {  	s30 =	sld [smem:$0x0];
	_ =	sdelay $0x2  }
0xc4: {  	s31 =	sshll.u32 s1, $0xD;
	s1 =	sshrl.u32 s1, $0x2  }
0xc5: {  	s3 =	sand.u32 $0x4000, s31;
	s1 =	sadd.s32 s1, s30  }
0xc6: {  	s0 =	sor.u32 s3, s0;
	s1 =	sshll.u32 s1, $0x11  }
0xc7: {  	s0 =	sor.u32 s1, s0  }
0xc8: {  	s0 =	sadd.s32 $0x8F2B, s0  }
0xc9: {  	[sflag:s0] =	ssyncadd.remote.s32 $0x1  }
0xca: {  	_ =	sfence.sel $0xFFFF  }
0xcb: {  	[dreg:$0x0] =	wrdreg $0xFFFFFFFF;
	(pc) =	sbr.abs _section_cstart, $3  }
0xcc: {  	[dreg:$0x1] =	wrdreg $0xFFFFFFFF  }
0xcd: {  	_ =	task.clear_ibuf [dreg:s11], $0x2FFFF;
	_ =	strace $0x9FFFFFFF  }
0xce: {  	(tm) =	ssettm $0x7FFFFFFF  }
0xcf: {  	_ =	shalt  }
tec
execute0_lowered:
.L_overlay_start_1:
0x0: {  	(tag) =	ssettag $0x1  }
0x1: {  	s1 =	rddreg [dreg:$0x0]  }
0x2: {  	s2 =	rddreg [dreg:$0x1]  }
0x3: {  	s0 =	rddreg [dreg:$0x2]  }
0x4: {  	s3 =	rddreg [dreg:$0x3]  }
0x5: {  	s4 =	rddreg [dreg:$0x4]  }
0x6: {  	s5 =	rddreg [dreg:$0x5];
	s7 =	simm.s32 $0x0  }
0x7: {  	s6 =	srdreg.scid;
	s8 =	stileid.u32;
	s29 =	simm.s32 $0x15000  }
0x8: {  	s30 =	simm.s32 $0x2;
	s31 =	simm.s32 $0x13000;
	s12 =	simm.s32 $0x4  }
0x9: {  	s13 =	simm.s32 $0x0;
	[smem:$0x7FF] =	sst s7;
	s6 =	sand.u32 $0x1, s6  }
0xa: {  	s9 =	sshll.u32 s8, $0x12;
	s10 =	ssub.s32 $0x2, s6;
	s6 =	sshll.u32 s6, $0x11  }
0xb: {  	s8 =	sadd.s32 $0x600, s0;
	s0 =	sadd.s32 $0x20600, s0;
	s9 =	sor.u32 s6, s9  }
0xc: {  	s14 =	sadd.s32 $0x10, s3;
	_ =	strace $0x80000047;
	s6 =	sshrl.u32 s9, $0x3  }
0xd: {  	[dreg:$0x7] =	wrdreg s0;
	s11 =	sshrl.u32 s10, $0x1;
	s18 =	sadd.s32 s1, s6  }
0xe: {  	s19 =	sshrl.u32 s9, $0x2;
	s6 =	sadd.s32 s2, s6;
	[dreg:$0x8] =	wrdreg s18  }
0xf: {  	s17 =	ssub.s32 s10, s11;
	s20 =	sadd.s32 s3, s19;
	[dreg:$0x9] =	wrdreg s6  }
0x10: {  	s21 =	sor.u32 $0x2000, s9;
	s0 =	smax.u32 s17, $0x1;
	[dreg:$0xa] =	wrdreg s20  }
0x11: {  	s23 =	sshrl.u32 s21, $0x3;
	s6 =	sadd.s32 s19, s14;
	[dreg:$0x12] =	wrdreg s0  }
0x12: {  	s22 =	sshrl.u32 s9, $0x5;
	s24 =	sadd.s32 s1, s23;
	[dreg:$0xb] =	wrdreg s6  }
0x13: {  	s25 =	sshrl.u32 s21, $0x2;
	s11 =	sadd.s32 s2, s23;
	[dreg:$0xd] =	wrdreg s24  }
0x14: {  	s10 =	sshrl.u32 s21, $0x5;
	s26 =	sadd.s32 s3, s25;
	[dreg:$0xe] =	wrdreg s11  }
0x15: {  	s28 =	sadd.s32 s8, s10;
	s23 =	sor.u32 $0x6000, s9;
	[dreg:$0xf] =	wrdreg s26  }
0x16: {  	v0 =	vimm.s32 $0x0;
	s10 =	simm.s32 $0x17000;
	s6 =	sadd.s32 s8, s22;
	[dreg:$0x11] =	wrdreg s28  }
0x17: {  	v1 =	vimm.s32 $0x1;
	v2 =	vimm.s32 $0x2;
	v3 =	vimm.s32 $0x3;
	s22 =	sor.u32 $0x4000, s9;
	[dreg:$0xc] =	wrdreg s6;
	s6 =	sadd.s32 s25, s14  }
0x18: {  	v4 =	vimm.s32 $0x4;
	v5 =	vimm.s32 $0x5;
	v6 =	vimm.s32 $0x6;
	s25 =	simm.s32 $0x11000;
	[dreg:$0x10] =	wrdreg s6;
	s6 =	simm.s32 $0x1  }
.LBB2_1:
0x19: {  	s0 =	rddreg [dreg:$0x8]  }
0x1a: {  	s26 =	rddreg [dreg:$0x9]  }
0x1b: {  	[tilespmem:s7], [sflag:$0x1] =	stream.linear.gather [hbm4b:s0+s7], $0x2000, $0x38;
	[tilespmem:$0x19080] =	vst v63  }
0x1c: {  	s11 =	simm.s32 $0x4000;
	s28 =	rddreg [dreg:$0xa]  }
0x1d: {  	[tilespmem:s11], [sflag:$0x1] =	stream.linear.gather [hbm4b:s26+s7], $0x2000, $0x38;
	[tilespmem:$0x19080] =	vst v63  }
0x1e: {  	s15 =	simm.s32 $0x100;
	s16 =	simm.s32 $0x8000;
	s11 =	simm.s32 $0x80  }
0x1f: {  	[tilespmem:s16], [sflag:$0x1] =	stream.strided.gather [hbm4b:s28+s11], $0x2000, s15, s11, $0x38;
	[tilespmem:$0x19080] =	vst v63  }
0x20: {  	s17 =	rddreg [dreg:$0xb];
	s18 =	simm.s32 $0xC000  }
0x21: {  	[tilespmem:s18], [sflag:$0x1] =	stream.strided.gather [hbm4b:s17+s11], $0x2000, s15, s11, $0x38;
	[tilespmem:$0x19080] =	vst v63  }
0x22: {  	s19 =	rddreg [dreg:$0xc];
	s20 =	simm.s32 $0x10000  }
0x23: {  	[tilespmem:s20], [sflag:$0x1] =	stream.linear.gather [hbm4b:s19+s7], $0x800, $0x38;
	[tilespmem:$0x19080] =	vst v63  }
0x24: {  	s21 =	rddreg [dreg:$0xd];
	s24 =	simm.s32 $0x2000  }
0x25: {  	[tilespmem:s24], [sflag:$0x2] =	stream.linear.gather [hbm4b:s21+s7], $0x2000, $0x38;
	[tilespmem:$0x19080] =	vst v63  }
0x26: {  	s26 =	rddreg [dreg:$0xe];
	s28 =	simm.s32 $0x6000  }
0x27: {  	[tilespmem:s28], [sflag:$0x2] =	stream.linear.gather [hbm4b:s26+s7], $0x2000, $0x38;
	[tilespmem:$0x19080] =	vst v63  }
0x28: {  	s16 =	rddreg [dreg:$0xf];
	s17 =	simm.s32 $0xA000  }
0x29: {  	[tilespmem:s17], [sflag:$0x2] =	stream.strided.gather [hbm4b:s16+s11], $0x2000, s15, s11, $0x38;
	[tilespmem:$0x19080] =	vst v63  }
0x2a: {  	s18 =	rddreg [dreg:$0x10];
	s19 =	simm.s32 $0xE000  }
0x2b: {  	[tilespmem:s19], [sflag:$0x2] =	stream.strided.gather [hbm4b:s18+s11], $0x2000, s15, s11, $0x38;
	[tilespmem:$0x19080] =	vst v63  }
0x2c: {  	s20 =	rddreg [dreg:$0x11];
	s21 =	simm.s32 $0x10800  }
0x2d: {  	[tilespmem:s21], [sflag:$0x2] =	stream.linear.gather [hbm4b:s20+s7], $0x800, $0x38;
	[tilespmem:$0x19080] =	vst v63  }
0x2e: {  	s24 =	rddreg [dreg:$0x7];
	s26 =	simm.s32 $0x19000;
	s28 =	simm.s32 $0x5  }
0x2f: {  	[tilespmem:s26], [sflag:$0x5] =	stream.linear.gather [hbm4b:s24+s7], $0x80, $0x38;
	[tilespmem:$0x19080] =	vst v63  }
0x30: {  	_ =	swait.ge [sflag:s28], $0x80  }
0x31: {  	[sflag:s28] =	ssyncset.done $0x0  }
0x32: {  	[sflag:s28] =	ssyncadd.s32 $0xFFFFFF80  }
0x33: {  	v13 =	vld [tilespmem:$0x19000];
	_ =	sdelay $0x4  }
0x34: {  	v7 =	vperm.xlane v13, v0  }
0x35: {  	v8 =	vperm.xlane v13, v1;
	v9 =	vperm.xlane v13, v2  }
0x36: {  	v10 =	vperm.xlane v13, v3;
	v12 =	vperm.xlane v13, v5  }
0x37: {  	s16 =	simm.s32 $0x0;
	v11 =	vperm.xlane v13, v4;
	v13 =	vperm.xlane v13, v6  }
.LBB2_2:
0x38: {  	_ =	swait.ge [sflag:s6], $0x2000  }
0x39: {  	[sflag:s6] =	ssyncset.done $0x0  }
0x3a: {  	[sflag:s6] =	ssyncadd.s32 $0xFFFFE000  }
0x3b: {  	_ =	swait.ge [sflag:s6], $0x2000  }
0x3c: {  	[sflag:s6] =	ssyncset.done $0x0  }
0x3d: {  	[sflag:s6] =	ssyncadd.s32 $0xFFFFE000  }
0x3e: {  	_ =	swait.ge [sflag:s6], $0x2000  }
0x3f: {  	[sflag:s6] =	ssyncset.done $0x0  }
0x40: {  	[sflag:s6] =	ssyncadd.s32 $0xFFFFE000  }
0x41: {  	_ =	swait.ge [sflag:s6], $0x2000  }
0x42: {  	[sflag:s6] =	ssyncset.done $0x0  }
0x43: {  	[sflag:s6] =	ssyncadd.s32 $0xFFFFE000  }
0x44: {  	_ =	swait.ge [sflag:s6], $0x800  }
0x45: {  	p1 =	seq.s32 s16, $0x0;
	[sflag:s6] =	ssyncset.done $0x0  }
0x46: {  	s0 =	simm.s32 @!p1 $0x3;
	[sflag:s6] =	ssyncadd.s32 $0xFFFFF800  }
0x47: {  	_ =	swait.ge @!p1 [sflag:s0], $0x2000  }
0x48: {  	[sflag:s0] =	ssyncset.done @!p1 $0x0  }
0x49: {  	[sflag:s0] =	ssyncadd.s32 @!p1 $0xFFFFE000  }
0x4a: {  	s15 =	simm.s32 $0x0;
	_ =	swait.ge @!p1 [sflag:s0], $0x2000  }
0x4b: {  	s21 =	sand.u32 $0x70, s15;
	s15 =	sand.u32 $0x1E00, s15;
	[sflag:s0] =	ssyncset.done @!p1 $0x0  }
0x4c: {  	s17 =	sor.u32 s21, s15;
	[sflag:s0] =	ssyncadd.s32 @!p1 $0xFFFFE000  }
0x4d: {  	v16 =	vld [tilespmem:s17+$0x100]  }
0x4e: {  	v25 =	vld [tilespmem:s17+$0x4100]  }
0x4f: {  	v26 =	vld [tilespmem:s17+$0x4180]  }
0x50: {  	v15 =	vld [tilespmem:s17+$0xC100]  }
0x51: {  	v28 =	vld [tilespmem:s17+$0x4080]  }
0x52: {  	v30 =	vld [tilespmem:s17+$0x180]  }
0x53: {  	v32 =	vld [tilespmem:s17+$0x80]  }
0x54: {  	v33 =	vld [tilespmem:s17+$0x4000]  }
0x55: {  	v34 =	vld [tilespmem:s17+$0x0]  }
0x56: {  	v19 =	vld [tilespmem:s17+$0x8080]  }
0x57: {  	v20 =	vld [tilespmem:s17+$0x8180]  }
0x58: {  	v27 =	vld [tilespmem:s17+$0x8000]  }
0x59: {  	v21 =	vld [tilespmem:s17+$0x8100]  }
0x5a: {  	s26 =	sshrl.u32 s15, $0x2;
	v29 =	vld [tilespmem:s17+$0xC080]  }
0x5b: {  	s24 =	simm.s32 $0x40;
	s18 =	simm.s32 $0x10;
	s0 =	sor.u32 s21, s26;
	v23 =	vld [tilespmem:s17+$0xC000];
	v31 =	vsub.f32 v32, v28  }
0x5c: {  	s19 =	sand.u32 $0x70, s18;
	s20 =	sand.u32 $0x1E00, s24;
	v36 =	vld [tilespmem:s0+$0x10000];
	vm0 =	vlt.f32 v15, $5.000000000e-01;
	v22 =	vsub.f32 v16, v25;
	v35 =	vsub.f32 v30, v26  }
0x5d: {  	s18 =	sor.u32 s19, s20;
	v18 =	vld [tilespmem:s17+$0xC180];
	vm4 =	vlt.f32 v13, v20;
	vm5 =	vlt.f32 v12, v19;
	vm3 =	vlt.f32 v13, v19  }
0x5e: {  	v14 =	vld [tilespmem:s18+$0x100];
	vm1 =	vlt.f32 v13, v21;
	vm2 =	vlt.f32 v11, v21;
	vm6 =	vlt.f32 v11, v20  }
0x5f: {  	v17 =	vld [tilespmem:s18+$0x4180];
	vm7 =	vlt.f32 v12, v20;
	v38 =	vsub.f32 v34, v33;
	vm8 =	vlt.f32 v11, v19  }
0x60: {  	v37 =	vld [tilespmem:s18+$0xC100];
	vm9 =	vlt.f32 v13, v27;
	vm10 =	vlt.f32 v11, v27;
	vm12 =	vlt.f32 v23, $5.000000000e-01  }
0x61: {  	v15 =	vld [tilespmem:s18+$0x4100];
	v43 =	vand.u32 $0x100, v36;
	vm13 =	vlt.f32 v29, $5.000000000e-01;
	vm15 =	vlt.f32 v12, v27  }
0x62: {  	v19 =	vld [tilespmem:s18+$0x4080];
	v29 =	vand.u32 $0x1000000, v36;
	vm0 =	vmmov vm0;
	v24 =	vsel vm3, v10, v9  }
0x63: {  	v23 =	vld [tilespmem:s18+$0x4000];
	vm3 =	vlt.f32 v18, $5.000000000e-01;
	v20 =	vsel vm8, v8, v7;
	v39 =	vsel vm9, v10, v9  }
0x64: {  	v27 =	vld [tilespmem:s18+$0x8080];
	v41 =	vsel vm10, v8, v7;
	vm14 =	vne.s32 v43, $0x0;
	v61 =	vsel vm1, v10, v9  }
0x65: {  	v18 =	vld [tilespmem:s18+$0x180];
	v40 =	vsel vm5, v24, v20;
	vm5 =	vlt.f32 v12, v21;
	v21 =	vsel vm6, v8, v7  }
0x66: {  	v24 =	vld [tilespmem:s18+$0xC180];
	v39 =	vsel vm15, v39, v41;
	v42 =	vadd.f32 v31, v40;
	v31 =	vsel vm4, v10, v9  }
0x67: {  	v20 =	vld [tilespmem:s18+$0x80];
	vm4 =	vmand vm14, vm13;
	v38 =	vadd.f32 v38, v39;
	v60 =	vsel vm7, v31, v21  }
0x68: {  	v21 =	vld [tilespmem:s18+$0x0];
	v31 =	vsel vm2, v8, v7;
	vm2 =	vne.s32 v29, $0x0;
	v28 =	vsel vm4, v40, v28  }
0x69: {  	v29 =	vld [tilespmem:s18+$0x8180];
	[tilespmem:s17+$0x11080] =	vst v28;
	v28 =	vand.u32 $0x1, v36;
	vm1 =	vmand vm2, vm3;
	v31 =	vsel vm5, v61, v31  }
0x6a: {  	v36 =	vand.u32 $0x10000, v36;
	vm2 =	veq.s32 v28, $0x1;
	v28 =	vsel vm1, v60, v26  }
0x6b: {  	v35 =	vadd.f32 v35, v60;
	v62 =	vsel vm4, v42, v32;
	v26 =	vld [tilespmem:s18+$0x8000];
	vm2 =	vmand vm12, vm2;
	[tilespmem:s17+$0x11180] =	vst v28  }
0x6c: {  	v33 =	vsel vm2, v39, v33;
	v28 =	vld [tilespmem:s18+$0x8100];
	v34 =	vsel vm2, v38, v34;
	vm2 =	vne.s32 v36, $0x0;
	[tilespmem:s17+$0x15080] =	vst v62  }
0x6d: {  	vm3 =	vlt.f32 v37, $5.000000000e-01;
	v32 =	vsub.f32 v14, v15;
	[tilespmem:s17+$0x11000] =	vst v33;
	vm2 =	vmand vm2, vm0  }
0x6e: {  	s24 =	simm.s32 $0x80;
	s28 =	sshrl.u32 s20, $0x2;
	v33 =	vsel vm1, v35, v30;
	[tilespmem:s17+$0x15000] =	vst v34;
	v30 =	vsub.f32 v20, v19;
	v63 =	vsel vm2, v31, v25  }
0x6f: {  	s15 =	sshll.u32 s16, $0xE;
	s20 =	simm.s32 $0x20;
	s19 =	sor.u32 s19, s28;
	vm0 =	vmmov vm3;
	vm1 =	vlt.f32 v13, v29;
	v25 =	vsub.f32 v18, v17;
	[tilespmem:s17+$0x11100] =	vst v63  }
.LBB2_3:
0x70: {  	vm4 =	vlt.f32 v12, v27;
	s21 =	smov.u32 s24  }
0x71: {  	s0 =	sand.u32 $0x70, s20;
	s26 =	sand.u32 $0x1E00, s24;
	v34 =	vld [tilespmem:s18+$0xC080];
	vm3 =	vlt.f32 v13, v27;
	v31 =	vadd.f32 v22, v31;
	[tilespmem:s17+$0x15180] =	vst v33;
	v22 =	vmov v32;
	s21 =	sadd.s32 $0x40, s24  }
0x72: {  	p0 =	sne.s32 s24, $0x1FC0;
	vm6 =	vlt.f32 v11, v29;
	s28 =	sshrl.u32 s26, $0x2;
	s26 =	sor.u32 s0, s26;
	vm5 =	vlt.f32 v13, v28;
	vm7 =	vlt.f32 v11, v28;
	v32 =	vld [tilespmem:s18+$0xC000]  }
0x73: {  	v33 =	vsel vm3, v10, v9;
	vm3 =	vlt.f32 v12, v29;
	s0 =	sor.u32 s0, s28;
	v29 =	vsel vm2, v31, v16;
	v16 =	vmovc v14;
	v14 =	vld [tilespmem:s26+$0x100]  }
0x74: {  	v36 =	vsub.f32 v21, v23;
	vm8 =	vlt.f32 v11, v27;
	vm2 =	vlt.f32 v24, $5.000000000e-01;
	v35 =	vld [tilespmem:s26+$0x4100];
	[tilespmem:s17+$0x15100] =	vst v29;
	s17 =	smov.u32 s18;
	s18 =	smov.u32 s26  }
0x75: {  	vm9 =	vlt.f32 v13, v26;
	vm10 =	vlt.f32 v11, v26;
	v24 =	vsel vm8, v8, v7;
	v27 =	vld [tilespmem:s19+$0x10000];
	s19 =	smov.u32 s0  }
0x76: {  	vm8 =	vlt.f32 v12, v28;
	v33 =	vsel vm4, v33, v24;
	v29 =	vsel vm9, v10, v9;
	v37 =	vld [tilespmem:s18+$0x4180]  }
0x77: {  	v38 =	vsel vm10, v8, v7;
	v24 =	vsel vm7, v8, v7;
	v30 =	vadd.f32 v30, v33;
	v28 =	vld [tilespmem:s18+$0xC100]  }
0x78: {  	v31 =	vsel vm5, v10, v9;
	vm4 =	vlt.f32 v32, $5.000000000e-01;
	v32 =	vsel vm6, v8, v7;
	v39 =	vld [tilespmem:s18+$0x4080]  }
0x79: {  	vm5 =	vlt.f32 v12, v26;
	v26 =	vsel vm1, v10, v9;
	v31 =	vsel vm8, v31, v24;
	v40 =	vld [tilespmem:s18+$0x180]  }
0x7a: {  	vm6 =	vlt.f32 v34, $5.000000000e-01;
	v24 =	vld [tilespmem:s18+$0xC180];
	v41 =	vand.u32 $0x1, v27;
	v42 =	vand.u32 $0x100, v27  }
0x7b: {  	v34 =	vld [tilespmem:s18+$0x80];
	vm7 =	vne.s32 v42, $0x0;
	v42 =	vand.u32 $0x10000, v27;
	v27 =	vand.u32 $0x1000000, v27  }
0x7c: {  	v26 =	vsel vm3, v26, v32;
	v43 =	vld [tilespmem:s18+$0x4000];
	vm1 =	vlt.f32 v28, $5.000000000e-01;
	v28 =	vsel vm5, v29, v38  }
0x7d: {  	v25 =	vadd.f32 v25, v26;
	vm3 =	vmand vm7, vm6;
	vm5 =	vne.s32 v27, $0x0;
	v38 =	vld [tilespmem:s18+$0x0]  }
0x7e: {  	vm6 =	veq.s32 v41, $0x1;
	v32 =	vsel vm3, v33, v19;
	vm2 =	vmand vm5, vm2;
	v19 =	vmovc v39;
	v27 =	vld [tilespmem:s18+$0x8080]  }
0x7f: {  	vm4 =	vmand vm4, vm6;
	v36 =	vadd.f32 v36, v28;
	v29 =	vld [tilespmem:s18+$0x8180];
	[tilespmem:s17+$0x11080] =	vst v32;
	v32 =	vsel vm2, v26, v17;
	v17 =	vmovc v37  }
.Ltmp0:
0x80: {  	v39 =	vsel vm4, v28, v23;
	v33 =	vsel vm2, v25, v18;
	v37 =	vsel vm3, v30, v20;
	v26 =	vld [tilespmem:s18+$0x8000];
	[tilespmem:s17+$0x11180] =	vst v32;
	(pc) =	sbr.rel @p0 .LBB2_3-.Ltmp0, $4  }
0x81: {  	v18 =	vmovc v40;
	v25 =	vsel vm4, v36, v21;
	vm2 =	vne.s32 v42, $0x0;
	v30 =	vsub.f32 v34, v19;
	v28 =	vld [tilespmem:s18+$0x8100];
	[tilespmem:s17+$0x11000] =	vst v39  }
0x82: {  	v32 =	vsub.f32 v14, v35;
	vm2 =	vmand vm2, vm0;
	v20 =	vmovc v34;
	v23 =	vmovc v43;
	[tilespmem:s17+$0x15000] =	vst v25;
	v21 =	vmov v38  }
0x83: {  	vm0 =	vmmov vm1;
	v34 =	vsel vm2, v31, v15;
	v15 =	vmovc v35;
	v25 =	vsub.f32 v18, v17;
	[tilespmem:s17+$0x15080] =	vst v37  }
0x84: {  	s20 =	sadd.s32 $0x10, s20;
	s24 =	smov.u32 s21;
	vm1 =	vlt.f32 v13, v29;
	[tilespmem:s17+$0x11100] =	vst v34  }
0x85: {  	v22 =	vadd.f32 v22, v31  }
0x86: {  	vm4 =	vlt.f32 v12, v27;
	vm5 =	vlt.f32 v13, v27;
	vm7 =	vlt.f32 v11, v29  }
0x87: {  	v34 =	vld [tilespmem:s18+$0xC080];
	[tilespmem:s17+$0x15180] =	vst v33;
	vm13 =	vlt.f32 v11, v27;
	vm8 =	vlt.f32 v24, $5.000000000e-01;
	v16 =	vsel vm2, v22, v16  }
0x88: {  	vm9 =	vlt.f32 v13, v26;
	vm10 =	vlt.f32 v11, v26;
	vm3 =	vlt.f32 v13, v28;
	v31 =	vld [tilespmem:s18+$0xC000];
	[tilespmem:s17+$0x15100] =	vst v16  }
0x89: {  	vm6 =	vlt.f32 v11, v28;
	v24 =	vsel vm13, v8, v7;
	v27 =	vsel vm9, v10, v9;
	v16 =	vld [tilespmem:s19+$0x10000]  }
0x8a: {  	vm14 =	vlt.f32 v12, v28;
	vm9 =	vlt.f32 v12, v26;
	v22 =	vsel vm5, v10, v9  }
0x8b: {  	v26 =	vsel vm1, v10, v9;
	vm2 =	vlt.f32 v12, v29;
	v22 =	vsel vm4, v22, v24  }
0x8c: {  	v29 =	vsub.f32 v21, v23;
	v24 =	vsel vm10, v8, v7;
	v28 =	vadd.f32 v30, v22  }
0x8d: {  	v30 =	vsel vm6, v8, v7;
	v24 =	vsel vm9, v27, v24;
	vm1 =	vlt.f32 v34, $5.000000000e-01  }
0x8e: {  	vm15 =	vlt.f32 v31, $5.000000000e-01;
	v31 =	vsel vm7, v8, v7;
	v35 =	vand.u32 $0x100, v16  }
0x8f: {  	v26 =	vsel vm2, v26, v31;
	v55 =	vand.u32 $0x1000000, v16;
	vm10 =	vne.s32 v35, $0x0  }
0x90: {  	v54 =	vand.u32 $0x1, v16;
	vm2 =	vne.s32 v55, $0x0;
	vm1 =	vmand vm10, vm1  }
0x91: {  	vm11 =	veq.s32 v54, $0x1;
	vm2 =	vmand vm2, vm8;
	v19 =	vsel vm1, v22, v19  }
0x92: {  	v16 =	vand.u32 $0x10000, v16;
	vm5 =	vmand vm15, vm11;
	v17 =	vsel vm2, v26, v17;
	[tilespmem:s18+$0x11080] =	vst v19  }
0x93: {  	v22 =	vadd.f32 v29, v24;
	v23 =	vsel vm5, v24, v23;
	v20 =	vsel vm1, v28, v20;
	[tilespmem:s18+$0x11180] =	vst v17  }
0x94: {  	v19 =	vsel vm3, v10, v9;
	[tilespmem:s18+$0x11000] =	vst v23;
	vm3 =	vne.s32 v16, $0x0;
	v16 =	vadd.f32 v25, v26  }
0x95: {  	[tilespmem:s18+$0x15080] =	vst v20;
	v17 =	vsel vm14, v19, v30;
	v19 =	vsel vm5, v22, v21;
	vm0 =	vmand vm3, vm0  }
0x96: {  	[tilespmem:s18+$0x15000] =	vst v19;
	v15 =	vsel vm0, v17, v15;
	v17 =	vadd.f32 v32, v17  }
0x97: {  	s0 =	sor.u32 s9, s15;
	v16 =	vsel vm2, v16, v18;
	[tilespmem:s18+$0x11100] =	vst v15  }
0x98: {  	s17 =	sshrl.u32 s0, $0x3;
	[tilespmem:s18+$0x15180] =	vst v16;
	v14 =	vsel vm0, v17, v14  }
0x99: {  	p0 =	seq.s32 s16, $0x7;
	s0 =	sadd.s32 s4, s17;
	[tilespmem:s18+$0x15100] =	vst v14  }
0x9a: {  	[hbm4b:s0+s7] =	stream.linear.scatter [tilespmem:s25], [sflag:$0x3], $0x2000, $0x38;
	[tilespmem:$0x19080] =	vst v63  }
0x9b: {  	s0 =	sadd.s32 @!p0 s15, s22  }
0x9c: {  	s19 =	sadd.s32 s5, s17;
	s18 =	sshrl.u32 @!p0 s0, $0x3  }
0x9d: {  	[hbm4b:s19+s7] =	stream.linear.scatter [tilespmem:s29], [sflag:$0x3], $0x2000, $0x38;
	[tilespmem:$0x19080] =	vst v63  }
0x9e: {  	s20 =	simm.s32 @!p0 $0x0;
	s19 =	sadd.s32 @!p0 s1, s18  }
0x9f: {  	[tilespmem:s20], [sflag:$0x1] =	stream.linear.gather @!p0 [hbm4b:s19+s20], $0x2000, $0x38;
	[tilespmem:$0x19080] =	vst v63  }
0xa0: {  	s18 =	sadd.s32 @!p0 s2, s18;
	s19 =	simm.s32 @!p0 $0x4000  }
0xa1: {  	[tilespmem:s19], [sflag:$0x1] =	stream.linear.gather @!p0 [hbm4b:s18+s20], $0x2000, $0x38;
	[tilespmem:$0x19080] =	vst v63  }
0xa2: {  	s21 =	simm.s32 @!p0 $0x80;
	s18 =	sshrl.u32 @!p0 s0, $0x2  }
0xa3: {  	s24 =	simm.s32 @!p0 $0x100;
	s26 =	simm.s32 @!p0 $0x8000;
	s19 =	sadd.s32 @!p0 s3, s18  }
0xa4: {  	[tilespmem:s26], [sflag:$0x1] =	stream.strided.gather @!p0 [hbm4b:s19+s21], $0x2000, s24, s21, $0x38;
	[tilespmem:$0x19080] =	vst v63  }
0xa5: {  	s0 =	sshrl.u32 @!p0 s0, $0x5;
	s18 =	sadd.s32 @!p0 s18, s14;
	s19 =	simm.s32 @!p0 $0xC000  }
0xa6: {  	[tilespmem:s19], [sflag:$0x1] =	stream.strided.gather @!p0 [hbm4b:s18+s21], $0x2000, s24, s21, $0x38;
	[tilespmem:$0x19080] =	vst v63  }
0xa7: {  	s0 =	sadd.s32 @!p0 s8, s0;
	s18 =	simm.s32 @!p0 $0x10000  }
0xa8: {  	[tilespmem:s18], [sflag:$0x1] =	stream.linear.gather @!p0 [hbm4b:s0+s20], $0x800, $0x38;
	[tilespmem:$0x19080] =	vst v63  }
0xa9: {  	_ =	swait.ge [sflag:s30], $0x2000  }
0xaa: {  	[sflag:s30] =	ssyncset.done $0x0  }
0xab: {  	[sflag:s30] =	ssyncadd.s32 $0xFFFFE000  }
0xac: {  	_ =	swait.ge [sflag:s30], $0x2000  }
0xad: {  	[sflag:s30] =	ssyncset.done $0x0  }
0xae: {  	[sflag:s30] =	ssyncadd.s32 $0xFFFFE000  }
0xaf: {  	_ =	swait.ge [sflag:s30], $0x2000  }
0xb0: {  	[sflag:s30] =	ssyncset.done $0x0  }
0xb1: {  	[sflag:s30] =	ssyncadd.s32 $0xFFFFE000  }
0xb2: {  	_ =	swait.ge [sflag:s30], $0x2000  }
0xb3: {  	[sflag:s30] =	ssyncset.done $0x0  }
0xb4: {  	[sflag:s30] =	ssyncadd.s32 $0xFFFFE000  }
0xb5: {  	_ =	swait.ge [sflag:s30], $0x800  }
0xb6: {  	[sflag:s30] =	ssyncset.done $0x0  }
0xb7: {  	s0 =	simm.s32 @!p1 $0x4;
	[sflag:s30] =	ssyncadd.s32 $0xFFFFF800  }
0xb8: {  	_ =	swait.ge @!p1 [sflag:s0], $0x2000  }
0xb9: {  	[sflag:s0] =	ssyncset.done @!p1 $0x0  }
0xba: {  	[sflag:s0] =	ssyncadd.s32 @!p1 $0xFFFFE000  }
0xbb: {  	s20 =	simm.s32 $0x0;
	_ =	swait.ge @!p1 [sflag:s0], $0x2000  }
0xbc: {  	s24 =	sand.u32 $0x70, s20;
	s26 =	sand.u32 $0x1E00, s20;
	[sflag:s0] =	ssyncset.done @!p1 $0x0  }
0xbd: {  	s19 =	sor.u32 s24, s26;
	[sflag:s0] =	ssyncadd.s32 @!p1 $0xFFFFE000  }
0xbe: {  	v16 =	vld [tilespmem:s19+$0x2100]  }
0xbf: {  	v25 =	vld [tilespmem:s19+$0x6100]  }
0xc0: {  	v26 =	vld [tilespmem:s19+$0x6180]  }
0xc1: {  	v15 =	vld [tilespmem:s19+$0xE100]  }
0xc2: {  	v28 =	vld [tilespmem:s19+$0x6080]  }
0xc3: {  	v30 =	vld [tilespmem:s19+$0x2180]  }
0xc4: {  	v18 =	vld [tilespmem:s19+$0xE180]  }
0xc5: {  	v56 =	vld [tilespmem:s19+$0x2080]  }
0xc6: {  	v57 =	vld [tilespmem:s19+$0x6000]  }
0xc7: {  	v58 =	vld [tilespmem:s19+$0x2000]  }
0xc8: {  	v19 =	vld [tilespmem:s19+$0xA080]  }
0xc9: {  	v20 =	vld [tilespmem:s19+$0xA180]  }
0xca: {  	v21 =	vld [tilespmem:s19+$0xA100]  }
0xcb: {  	s26 =	sshrl.u32 s26, $0x2;
	v27 =	vld [tilespmem:s19+$0xA000]  }
0xcc: {  	s28 =	simm.s32 $0x10;
	s21 =	simm.s32 $0x40;
	s0 =	sor.u32 s24, s26;
	v29 =	vld [tilespmem:s19+$0xE080];
	v31 =	vsub.f32 v56, v28  }
0xcd: {  	s11 =	sand.u32 $0x1E00, s21;
	s20 =	sand.u32 $0x70, s28;
	v36 =	vld [tilespmem:s0+$0x10800];
	vm0 =	vlt.f32 v15, $5.000000000e-01;
	v22 =	vsub.f32 v16, v25;
	v59 =	vsub.f32 v30, v26  }
0xce: {  	s18 =	sor.u32 s20, s11;
	v23 =	vld [tilespmem:s19+$0xE000];
	vm4 =	vlt.f32 v13, v20;
	vm12 =	vlt.f32 v12, v19;
	vm3 =	vlt.f32 v13, v19  }
0xcf: {  	v14 =	vld [tilespmem:s18+$0x2100];
	vm1 =	vlt.f32 v13, v21;
	vm2 =	vlt.f32 v11, v21;
	vm6 =	vlt.f32 v11, v20  }
0xd0: {  	v17 =	vld [tilespmem:s18+$0x6180];
	vm7 =	vlt.f32 v12, v20;
	v38 =	vsub.f32 v58, v57;
	vm13 =	vlt.f32 v11, v19  }
0xd1: {  	v37 =	vld [tilespmem:s18+$0xE100];
	vm14 =	vlt.f32 v13, v27;
	vm15 =	vlt.f32 v11, v27;
	vm5 =	vlt.f32 v12, v21  }
0xd2: {  	v15 =	vld [tilespmem:s18+$0x6100];
	v43 =	vand.u32 $0x100, v36;
	vm0 =	vmmov vm0;
	v24 =	vsel vm3, v10, v9  }
0xd3: {  	v19 =	vld [tilespmem:s18+$0x6080];
	vm3 =	vlt.f32 v18, $5.000000000e-01;
	v20 =	vsel vm13, v8, v7;
	v39 =	vsel vm14, v10, v9  }
0xd4: {  	v18 =	vld [tilespmem:s18+$0x2180];
	v41 =	vsel vm15, v8, v7;
	v21 =	vsel vm6, v8, v7;
	vm13 =	vlt.f32 v29, $5.000000000e-01  }
0xd5: {  	vm14 =	vne.s32 v43, $0x0;
	vm15 =	vlt.f32 v12, v27;
	v29 =	vand.u32 $0x1000000, v36;
	v27 =	vld [tilespmem:s18+$0xA080]  }
0xd6: {  	v61 =	vsel vm1, v10, v9;
	v40 =	vsel vm12, v24, v20;
	v24 =	vld [tilespmem:s18+$0xE180];
	vm12 =	vlt.f32 v23, $5.000000000e-01  }
0xd7: {  	v20 =	vld [tilespmem:s18+$0x2080];
	v39 =	vsel vm15, v39, v41;
	v42 =	vadd.f32 v31, v40;
	v31 =	vsel vm4, v10, v9  }
0xd8: {  	v23 =	vld [tilespmem:s18+$0x6000];
	vm4 =	vmand vm14, vm13;
	v38 =	vadd.f32 v38, v39;
	v60 =	vsel vm7, v31, v21  }
0xd9: {  	v21 =	vld [tilespmem:s18+$0x2000];
	v31 =	vsel vm2, v8, v7;
	vm2 =	vne.s32 v29, $0x0;
	v28 =	vsel vm4, v40, v28  }
0xda: {  	v29 =	vld [tilespmem:s18+$0xA180];
	[tilespmem:s19+$0x13080] =	vst v28;
	v28 =	vand.u32 $0x1, v36;
	vm1 =	vmand vm2, vm3;
	v31 =	vsel vm5, v61, v31  }
0xdb: {  	v36 =	vand.u32 $0x10000, v36;
	vm2 =	veq.s32 v28, $0x1;
	v28 =	vsel vm1, v60, v26  }
0xdc: {  	v35 =	vadd.f32 v59, v60;
	v62 =	vsel vm4, v42, v56;
	v26 =	vld [tilespmem:s18+$0xA000];
	vm2 =	vmand vm12, vm2;
	[tilespmem:s19+$0x13180] =	vst v28  }
0xdd: {  	v33 =	vsel vm2, v39, v57;
	v28 =	vld [tilespmem:s18+$0xA100];
	v34 =	vsel vm2, v38, v58;
	vm2 =	vne.s32 v36, $0x0;
	[tilespmem:s19+$0x17080] =	vst v62  }
0xde: {  	vm3 =	vlt.f32 v37, $5.000000000e-01;
	v32 =	vsub.f32 v14, v15;
	[tilespmem:s19+$0x13000] =	vst v33;
	vm2 =	vmand vm2, vm0  }
0xdf: {  	s16 =	sadd.s32 $0x1, s16;
	s28 =	sshrl.u32 s11, $0x2;
	v33 =	vsel vm1, v35, v30;
	[tilespmem:s19+$0x17000] =	vst v34;
	v30 =	vsub.f32 v20, v19;
	v63 =	vsel vm2, v31, v25  }
0xe0: {  	s21 =	simm.s32 $0x20;
	s20 =	sor.u32 s20, s28;
	s24 =	simm.s32 $0x80;
	vm0 =	vmmov vm3;
	vm1 =	vlt.f32 v13, v29;
	v25 =	vsub.f32 v18, v17;
	[tilespmem:s19+$0x13100] =	vst v63  }
.LBB2_5:
0xe1: {  	vm4 =	vlt.f32 v12, v27;
	s0 =	smov.u32 s24  }
0xe2: {  	s26 =	sand.u32 $0x70, s21;
	s28 =	sand.u32 $0x1E00, s24;
	v34 =	vld [tilespmem:s18+$0xE080];
	vm3 =	vlt.f32 v13, v27;
	v31 =	vadd.f32 v22, v31;
	[tilespmem:s19+$0x17180] =	vst v33;
	v22 =	vmov v32;
	s0 =	sadd.s32 $0x40, s24  }
0xe3: {  	p1 =	sne.s32 s24, $0x1FC0;
	vm6 =	vlt.f32 v11, v29;
	s11 =	sshrl.u32 s28, $0x2;
	s28 =	sor.u32 s26, s28;
	vm5 =	vlt.f32 v13, v28;
	vm7 =	vlt.f32 v11, v28;
	v32 =	vld [tilespmem:s18+$0xE000]  }
0xe4: {  	v33 =	vsel vm3, v10, v9;
	vm3 =	vlt.f32 v12, v29;
	s11 =	sor.u32 s26, s11;
	v29 =	vsel vm2, v31, v16;
	v16 =	vmovc v14;
	v14 =	vld [tilespmem:s28+$0x2100]  }
0xe5: {  	v36 =	vsub.f32 v21, v23;
	vm8 =	vlt.f32 v11, v27;
	vm2 =	vlt.f32 v24, $5.000000000e-01;
	v35 =	vld [tilespmem:s28+$0x6100];
	[tilespmem:s19+$0x17100] =	vst v29;
	s19 =	smov.u32 s18;
	s18 =	smov.u32 s28  }
0xe6: {  	vm9 =	vlt.f32 v13, v26;
	vm10 =	vlt.f32 v11, v26;
	v24 =	vsel vm8, v8, v7;
	v27 =	vld [tilespmem:s20+$0x10800];
	s20 =	smov.u32 s11  }
0xe7: {  	vm8 =	vlt.f32 v12, v28;
	v33 =	vsel vm4, v33, v24;
	v29 =	vsel vm9, v10, v9;
	v37 =	vld [tilespmem:s18+$0x6180]  }
0xe8: {  	v38 =	vsel vm10, v8, v7;
	v24 =	vsel vm7, v8, v7;
	v30 =	vadd.f32 v30, v33;
	v28 =	vld [tilespmem:s18+$0xE100]  }
0xe9: {  	v31 =	vsel vm5, v10, v9;
	vm4 =	vlt.f32 v32, $5.000000000e-01;
	v32 =	vsel vm6, v8, v7;
	v39 =	vld [tilespmem:s18+$0x6080]  }
0xea: {  	vm5 =	vlt.f32 v12, v26;
	v26 =	vsel vm1, v10, v9;
	v31 =	vsel vm8, v31, v24;
	v40 =	vld [tilespmem:s18+$0x2180]  }
0xeb: {  	vm6 =	vlt.f32 v34, $5.000000000e-01;
	v24 =	vld [tilespmem:s18+$0xE180];
	v41 =	vand.u32 $0x1, v27;
	v42 =	vand.u32 $0x100, v27  }
0xec: {  	v34 =	vld [tilespmem:s18+$0x2080];
	vm7 =	vne.s32 v42, $0x0;
	v42 =	vand.u32 $0x10000, v27;
	v27 =	vand.u32 $0x1000000, v27  }
0xed: {  	v26 =	vsel vm3, v26, v32;
	v43 =	vld [tilespmem:s18+$0x6000];
	vm1 =	vlt.f32 v28, $5.000000000e-01;
	v28 =	vsel vm5, v29, v38  }
0xee: {  	v25 =	vadd.f32 v25, v26;
	vm3 =	vmand vm7, vm6;
	vm5 =	vne.s32 v27, $0x0;
	v38 =	vld [tilespmem:s18+$0x2000]  }
0xef: {  	vm6 =	veq.s32 v41, $0x1;
	v32 =	vsel vm3, v33, v19;
	vm2 =	vmand vm5, vm2;
	v19 =	vmovc v39;
	v27 =	vld [tilespmem:s18+$0xA080]  }
0xf0: {  	vm4 =	vmand vm4, vm6;
	v36 =	vadd.f32 v36, v28;
	v29 =	vld [tilespmem:s18+$0xA180];
	[tilespmem:s19+$0x13080] =	vst v32;
	v32 =	vsel vm2, v26, v17;
	v17 =	vmovc v37  }
.Ltmp1:
0xf1: {  	v39 =	vsel vm4, v28, v23;
	v33 =	vsel vm2, v25, v18;
	v37 =	vsel vm3, v30, v20;
	v26 =	vld [tilespmem:s18+$0xA000];
	[tilespmem:s19+$0x13180] =	vst v32;
	(pc) =	sbr.rel @p1 .LBB2_5-.Ltmp1, $4  }
0xf2: {  	v18 =	vmovc v40;
	v25 =	vsel vm4, v36, v21;
	vm2 =	vne.s32 v42, $0x0;
	v30 =	vsub.f32 v34, v19;
	v28 =	vld [tilespmem:s18+$0xA100];
	[tilespmem:s19+$0x13000] =	vst v39  }
0xf3: {  	v32 =	vsub.f32 v14, v35;
	vm2 =	vmand vm2, vm0;
	v20 =	vmovc v34;
	v23 =	vmovc v43;
	[tilespmem:s19+$0x17000] =	vst v25;
	v21 =	vmov v38  }
0xf4: {  	vm0 =	vmmov vm1;
	v34 =	vsel vm2, v31, v15;
	v15 =	vmovc v35;
	v25 =	vsub.f32 v18, v17;
	[tilespmem:s19+$0x17080] =	vst v37  }
0xf5: {  	s21 =	sadd.s32 $0x10, s21;
	s24 =	smov.u32 s0;
	vm1 =	vlt.f32 v13, v29;
	[tilespmem:s19+$0x13100] =	vst v34  }
0xf6: {  	v22 =	vadd.f32 v22, v31  }
0xf7: {  	vm4 =	vlt.f32 v12, v27;
	vm5 =	vlt.f32 v13, v27;
	vm7 =	vlt.f32 v11, v29  }
0xf8: {  	v34 =	vld [tilespmem:s18+$0xE080];
	[tilespmem:s19+$0x17180] =	vst v33;
	vm13 =	vlt.f32 v12, v29;
	v48 =	vsub.f32 v21, v23;
	v16 =	vsel vm2, v22, v16  }
0xf9: {  	vm14 =	vlt.f32 v11, v27;
	vm8 =	vlt.f32 v24, $5.000000000e-01;
	vm9 =	vlt.f32 v13, v26;
	v46 =	vld [tilespmem:s18+$0xE000];
	[tilespmem:s19+$0x17100] =	vst v16  }
0xfa: {  	vm10 =	vlt.f32 v11, v26;
	v55 =	vsel vm1, v10, v9;
	vm3 =	vlt.f32 v13, v28;
	v16 =	vld [tilespmem:s20+$0x10800]  }
0xfb: {  	vm6 =	vlt.f32 v11, v28;
	v47 =	vsel vm5, v10, v9;
	v49 =	vsel vm14, v8, v7  }
0xfc: {  	v50 =	vsel vm9, v10, v9;
	vm15 =	vlt.f32 v12, v28;
	v51 =	vsel vm10, v8, v7  }
0xfd: {  	v54 =	vsel vm7, v8, v7;
	vm10 =	vlt.f32 v12, v26;
	v22 =	vsel vm4, v47, v49  }
0xfe: {  	v53 =	vsel vm6, v8, v7;
	v24 =	vsel vm10, v50, v51;
	v26 =	vsel vm13, v55, v54  }
0xff: {  	v59 =	vsel vm3, v10, v9;
	vm11 =	vlt.f32 v34, $5.000000000e-01;
	v35 =	vand.u32 $0x100, v16  }
0x100: {  	vm9 =	vlt.f32 v46, $5.000000000e-01;
	v57 =	vand.u32 $0x1000000, v16;
	vm12 =	vne.s32 v35, $0x0  }
0x101: {  	v56 =	vand.u32 $0x1, v16;
	vm13 =	vne.s32 v57, $0x0;
	vm1 =	vmand vm12, vm11  }
0x102: {  	vm14 =	veq.s32 v56, $0x1;
	vm2 =	vmand vm13, vm8;
	v19 =	vsel vm1, v22, v19  }
0x103: {  	v58 =	vadd.f32 v48, v24;
	vm5 =	vmand vm9, vm14;
	v17 =	vsel vm2, v26, v17;
	[tilespmem:s18+$0x13080] =	vst v19  }
0x104: {  	v52 =	vadd.f32 v30, v22;
	v16 =	vand.u32 $0x10000, v16;
	v60 =	vsel vm5, v24, v23;
	[tilespmem:s18+$0x13180] =	vst v17  }
0x105: {  	v61 =	vsel vm15, v59, v53;
	vm15 =	vne.s32 v16, $0x0;
	v62 =	vsel vm5, v58, v21;
	[tilespmem:s18+$0x13000] =	vst v60  }
0x106: {  	v63 =	vadd.f32 v25, v26;
	vm0 =	vmand vm15, vm0;
	v20 =	vsel vm1, v52, v20;
	[tilespmem:s18+$0x17000] =	vst v62  }
0x107: {  	v15 =	vsel vm0, v61, v15;
	[tilespmem:s18+$0x17080] =	vst v20;
	v17 =	vadd.f32 v32, v61  }
0x108: {  	v16 =	vsel vm2, v63, v18;
	[tilespmem:s18+$0x13100] =	vst v15  }
0x109: {  	s0 =	sor.u32 $0x400, s17;
	[tilespmem:s18+$0x17180] =	vst v16;
	v14 =	vsel vm0, v17, v14  }
0x10a: {  	s11 =	sadd.s32 s4, s0;
	[tilespmem:s18+$0x17100] =	vst v14  }
0x10b: {  	[hbm4b:s11+s7] =	stream.linear.scatter [tilespmem:s31], [sflag:$0x4], $0x2000, $0x38;
	[tilespmem:$0x19080] =	vst v63  }
0x10c: {  	s0 =	sadd.s32 s5, s0  }
0x10d: {  	[hbm4b:s0+s7] =	stream.linear.scatter [tilespmem:s10], [sflag:$0x4], $0x2000, $0x38;
	[tilespmem:$0x19080] =	vst v63  }
0x10e: {  	s0 =	sadd.s32 @!p0 s15, s23  }
0x10f: {  	s11 =	sshrl.u32 @!p0 s0, $0x3  }
0x110: {  	s17 =	simm.s32 @!p0 $0x0;
	s18 =	simm.s32 @!p0 $0x2000;
	s15 =	sadd.s32 @!p0 s1, s11  }
0x111: {  	[tilespmem:s18], [sflag:$0x2] =	stream.linear.gather @!p0 [hbm4b:s15+s17], $0x2000, $0x38;
	[tilespmem:$0x19080] =	vst v63  }
0x112: {  	s11 =	sadd.s32 @!p0 s2, s11;
	s15 =	simm.s32 @!p0 $0x6000  }
0x113: {  	[tilespmem:s15], [sflag:$0x2] =	stream.linear.gather @!p0 [hbm4b:s11+s17], $0x2000, $0x38;
	[tilespmem:$0x19080] =	vst v63  }
0x114: {  	s19 =	simm.s32 @!p0 $0x100;
	s11 =	sshrl.u32 @!p0 s0, $0x2  }
0x115: {  	s20 =	simm.s32 @!p0 $0xA000;
	s18 =	simm.s32 @!p0 $0x80;
	s15 =	sadd.s32 @!p0 s3, s11  }
0x116: {  	[tilespmem:s20], [sflag:$0x2] =	stream.strided.gather @!p0 [hbm4b:s15+s18], $0x2000, s19, s18, $0x38;
	[tilespmem:$0x19080] =	vst v63  }
0x117: {  	s0 =	sshrl.u32 @!p0 s0, $0x5;
	s11 =	sadd.s32 @!p0 s11, s14;
	s15 =	simm.s32 @!p0 $0xE000  }
0x118: {  	[tilespmem:s15], [sflag:$0x2] =	stream.strided.gather @!p0 [hbm4b:s11+s18], $0x2000, s19, s18, $0x38;
	[tilespmem:$0x19080] =	vst v63  }
0x119: {  	p1 =	sne.s32 @!p0 s16, $0x8;
	s0 =	sadd.s32 @!p0 s8, s0;
	s11 =	simm.s32 @!p0 $0x10800  }
0x11a: {  	[tilespmem:s11], [sflag:$0x2] =	stream.linear.gather @!p0 [hbm4b:s0+s17], $0x800, $0x38;
	[tilespmem:$0x19080] =	vst v63  }
0x11b: {  	p0 =	por p0, !p1  }
.Ltmp2:
0x11c: {  	_ = 	snop;
	(pc) =	sbr.rel @!p0 .LBB2_2-.Ltmp2, $1  }
0x11d: {  	_ =	sdelay $0x3  }
0x11e: {  	s0 =	simm.s32 $0x3  }
0x11f: {  	_ =	swait.ge [sflag:s0], $0x2000  }
0x120: {  	[sflag:s0] =	ssyncset.done $0x0  }
0x121: {  	[sflag:s0] =	ssyncadd.s32 $0xFFFFE000  }
0x122: {  	_ =	swait.ge [sflag:s0], $0x2000  }
0x123: {  	[sflag:s0] =	ssyncset.done $0x0  }
0x124: {  	[sflag:s0] =	ssyncadd.s32 $0xFFFFE000  }
0x125: {  	_ =	swait.ge [sflag:s12], $0x2000  }
0x126: {  	[sflag:s12] =	ssyncset.done $0x0  }
0x127: {  	[sflag:s12] =	ssyncadd.s32 $0xFFFFE000  }
0x128: {  	_ =	swait.ge [sflag:s12], $0x2000  }
0x129: {  	s13 =	sadd.s32 $0x1, s13;
	s28 =	rddreg [dreg:$0x12]  }
0x12a: {  	p0 =	sne.s32 s13, s28  }
.Ltmp3:
0x12b: {  	_ = 	snop;
	(pc) =	sbr.rel @p0 .LBB2_1-.Ltmp3, $3  }
0x12c: {  	_ =	sdelay $0x1  }
0x12d: {  	[sflag:s12] =	ssyncset.done $0x0  }
0x12e: {  	[sflag:s12] =	ssyncadd.s32 $0xFFFFE000  }
0x12f: {  	_ =	sfence.sel $0x180000  }
0x130: {  	[bflag:$0x0] =	sbarrier.arrive $0xFFFF  }
0x131: {  	_ =	strace $0x90000047  }
0x132: {  	s0 =	stileid.u32;
	[bflag:$0x2] =	sbarrier.arrive $0xFFFF  }
0x133: {  	p0 =	sne.s32 s0, $0x0;
	s0 =	rddreg [dreg:$0x6]  }
0x134: {  	s0 =	sadd.s32 @!p0 $0x100000, s0  }
0x135: {  	[sflag:s0] =	ssyncadd.tile.s32 @!p0 $0x1;
	_ =	shalt  }
.Lfunc_end2:
_tile_overlayer_lowered:
.L_overlay_start_2:
0x136: {  	(tag) =	ssettag $0x2  }
0x137: {  	s0 =	rddreg [dreg:$0x0];
	s2 =	stileid.u32  }
0x138: {  	s1 =	rddreg [dreg:$0x1];
	p0 =	sne.s32 s2, $0x0  }
0x139: {  	s3 =	rddreg [dreg:$0x2];
	[bflag:$0x3] =	sbarrier.arrive $0xFFFF;
	s2 =	simm.s32 @!p0 $0x1C05  }
0x13a: {  	[timem:s3], [sflag:s2] =	dma.local @!p0 [hbm:s0], s1  }
0x13b: {  	s0 =	simm.s32 @!p0 $0x5  }
0x13c: {  	_ =	swait.ge @!p0 [sflag:s0], s1  }
0x13d: {  	s1 =	ssub.s32 @!p0 $0x0, s1;
	[sflag:s0] =	ssyncset.done @!p0 $0x0  }
0x13e: {  	[sflag:s0] =	ssyncadd.s32 @!p0 s1  }
0x13f: {  	[bflag:$0x3] =	sbarrier.arrive $0xFFFF  }
0x140: {  	_ =	shalt  }

</sc_bundles>
